<compile_context>
chip_gen: v7x
topology: tpu7x:2x2x1
jax: 0.10.2.dev20260603
libtpu: 0.0.44.dev20260713+nightly
codegen_flags: <defaults>
</compile_context>

<pallas_src>
import functools
import math

import jax
import jax.numpy as jnp
from jax import lax
from jax.experimental import pallas as pl
from jax.experimental.pallas import tpu as pltpu
from jax.experimental.pallas import tpu_sc as plsc

D = 128
S = 512
N = 1024 * S
NC = 2
NS = 16
NW = NC * NS
ROWS_W = N // NW
CH = 64
NCH = ROWS_W // CH
LANES = 16
SCALE = math.sqrt(float(D))

_mesh = plsc.VectorSubcoreMesh(core_axis_name="c", subcore_axis_name="s")


@functools.partial(
    pl.kernel,
    mesh=_mesh,
    out_type=jax.ShapeDtypeStruct((N, D), jnp.float32),
    scratch_types=[
        pltpu.VMEM((S, D), jnp.float32),
        pltpu.VMEM((ROWS_W,), jnp.int32),
        pltpu.VMEM((2, CH, D), jnp.float32),
        pltpu.VMEM((2, CH, D), jnp.float32),
        pltpu.SemaphoreType.DMA,
        pltpu.SemaphoreType.DMA,
        pltpu.SemaphoreType.DMA,
        pltpu.SemaphoreType.DMA,
    ],
)
def _emb(ids_hbm, table_hbm, pos_hbm, out_hbm,
         pos_v, idx_v, rows_v, outs_v, gs0, gs1, ss0, ss1):
    wid = lax.axis_index("s") * NC + lax.axis_index("c")
    base = wid * ROWS_W
    pltpu.sync_copy(pos_hbm, pos_v)
    pltpu.sync_copy(ids_hbm.at[pl.ds(base, ROWS_W)], idx_v)

    gsems = (gs0, gs1)
    ssems = (ss0, ss1)

    def start_gather(c, b):
        pltpu.async_copy(
            table_hbm.at[idx_v.at[pl.ds(c * CH, CH)]],
            rows_v.at[b], gsems[b])

    def wait_gather(b):
        pltpu.make_async_copy(
            table_hbm.at[idx_v.at[pl.ds(0, CH)]],
            rows_v.at[b], gsems[b]).wait()

    def start_scatter(c, b):
        pltpu.async_copy(
            outs_v.at[b],
            out_hbm.at[pl.ds(base + c * CH, CH)], ssems[b])

    def wait_scatter(b):
        pltpu.make_async_copy(
            outs_v.at[b],
            out_hbm.at[pl.ds(0, CH)], ssems[b]).wait()

    def compute(c, b):
        pbase = lax.rem(c, S // CH) * CH

        def row_body(r, carry):
            pr = pbase + r
            for j in range(D // LANES):
                sl = pl.ds(j * LANES, LANES)
                outs_v[b, r, sl] = rows_v[b, r, sl] * SCALE + pos_v[pr, sl]
            return carry

        lax.fori_loop(0, CH, row_body, 0)

    start_gather(0, 0)
    start_gather(1, 1)

    def pair_body(i, carry):
        c0 = i * 2
        for b in range(2):
            cc = c0 + b
            wait_gather(b)

            @pl.when(i > 0)
            def _():
                wait_scatter(b)

            compute(cc, b)
            start_scatter(cc, b)

            @pl.when(cc + 2 < NCH)
            def _():
                start_gather(cc + 2, b)
        return carry

    lax.fori_loop(0, NCH // 2, pair_body, 0)
    wait_scatter(0)
    wait_scatter(1)


def kernel(input_ids, embed_table, pos_table):
    bsz, seq = input_ids.shape
    ids = input_ids.reshape(-1).astype(jnp.int32)
    out = _emb(ids, embed_table, pos_table)
    return out.reshape(bsz, seq, D)

# --- scband reference (transcript-rebuilt; emitter-appended) ---
"""Pipeline reference for scband-adapter-2972117369249 (READ-ONLY COPY).

The authoritative reference and input builder live on the scoring server;
editing this copy changes nothing except your own understanding.
"""

import jax, jax.numpy as jnp
import numpy as np
import math

VOCAB = 100000
EMBED_DIM = 128
BATCH = 1024
SEQ_LEN = 512
MAX_SEQ_LEN = 512


def setup_inputs(seed: int = 0) -> dict:
    key = jax.random.key(seed)
    k1, k2, k3 = jax.random.split(key, 3)
    input_ids = jax.random.randint(k1, (BATCH, SEQ_LEN), 0, VOCAB, dtype=jnp.int64 if jax.config.jax_enable_x64 else jnp.int32)
    embed_table = jax.random.normal(k2, (VOCAB, EMBED_DIM), dtype=jnp.float32) * 0.02
    pos_table = jax.random.normal(k3, (MAX_SEQ_LEN, EMBED_DIM), dtype=jnp.float32) * 0.02
    return {"input_ids": input_ids, "embed_table": embed_table, "pos_table": pos_table}


def reference(input_ids, embed_table, pos_table):
    # Faithful translation of Adapter.forward:
    #   guard: seq_len must be <= 512 (statically true here)
    #   inputs_embeds = embedding(input_ids) * sqrt(embedding_dim)
    #   embed_pos = pos_embedding(input_shape)  -> learned positions [seq_len, d]
    #   hidden = inputs_embeds + embed_pos
    seq_len = input_ids.shape[-1]
    assert seq_len <= MAX_SEQ_LEN
    embed_scale = math.sqrt(EMBED_DIM)
    ids = input_ids.reshape(-1, seq_len)
    inputs_embeds = jnp.take(embed_table, ids, axis=0) * embed_scale
    positions = jnp.arange(seq_len)
    embed_pos = jnp.take(pos_table, positions, axis=0)[None, :, :]
    hidden_states = inputs_embeds + embed_pos
    return hidden_states

if __name__ == "__main__":
    import jax
    _d = setup_inputs()
    print(jax.jit(kernel)(*tuple(_d.values())))

</pallas_src>

<mosaic_0001>
#map = affine_map<(d0, d1) -> (0)>
#map1 = affine_map<(d0, d1) -> (0, 0)>
module attributes {stable_mosaic.version = 14 : i64} {
  func.func @_emb(%arg0: i32, %arg1: i32, %arg2: memref<524288xi32, #tpu.memory_space<hbm>>, %arg3: memref<100000x128xf32, #tpu.memory_space<hbm>>, %arg4: memref<512x128xf32, #tpu.memory_space<hbm>>, %arg5: memref<524288x128xf32, #tpu.memory_space<hbm>>, %arg6: memref<512x128xf32, #tpu.memory_space<vmem>>, %arg7: memref<16384xi32, #tpu.memory_space<vmem>>, %arg8: memref<2x64x128xf32, #tpu.memory_space<vmem>>, %arg9: memref<2x64x128xf32, #tpu.memory_space<vmem>>, %arg10: memref<!tpu.dma_semaphore, #tpu.memory_space<semaphore_mem>>, %arg11: memref<!tpu.dma_semaphore, #tpu.memory_space<semaphore_mem>>, %arg12: memref<!tpu.dma_semaphore, #tpu.memory_space<semaphore_mem>>, %arg13: memref<!tpu.dma_semaphore, #tpu.memory_space<semaphore_mem>>) attributes {dimension_semantics = [#tpu.dimension_semantics<core_parallel>, #tpu.dimension_semantics<subcore_parallel>], iteration_bounds = array<i64: 2, 16>, scalar_prefetch = 0 : i64, scratch_operands = 8 : i64, tpu.core_type = #tpu.core_type<sc_vector_subcore>, window_params = [{transform_indices = #map}, {transform_indices = #map1}, {transform_indices = #map1}, {transform_indices = #map1}]} {
    %mul3A = arith.constant 2 : i32
    %mul3A_0 = arith.muli %arg1, %mul3A : i32
    %add3A = arith.addi %mul3A_0, %arg0 : i32
    %mul3A_1 = arith.constant 16384 : i32
    %mul3A_2 = arith.muli %add3A, %mul3A_1 : i32
    "tpu.region"() ({
      %run_scoped3A = tpu.sem_alloc : memref<!tpu.dma_semaphore, #tpu.memory_space<semaphore_mem>>
      tpu.enqueue_dma source(%arg4 : memref<512x128xf32, #tpu.memory_space<hbm>>) target(%arg6 : memref<512x128xf32, #tpu.memory_space<vmem>>) target_semaphore(%run_scoped3A : memref<!tpu.dma_semaphore, #tpu.memory_space<semaphore_mem>>)
      tpu.wait_dma2 semaphore(%run_scoped3A : memref<!tpu.dma_semaphore, #tpu.memory_space<semaphore_mem>>) src(%arg4 : memref<512x128xf32, #tpu.memory_space<hbm>>) dst(%arg6 : memref<512x128xf32, #tpu.memory_space<vmem>>)
      tpu.yield
    }) : () -> ()
    "tpu.region"() ({
      %run_scoped3A = tpu.sem_alloc : memref<!tpu.dma_semaphore, #tpu.memory_space<semaphore_mem>>
      %dma_start3A_56 = tpu.memref_slice %arg2[%mul3A_2] : memref<524288xi32, #tpu.memory_space<hbm>> -> memref<16384xi32, #tpu.memory_space<hbm>>
      %dma_start3A_57 = tpu.memref_slice %arg2[%mul3A_2] : memref<524288xi32, #tpu.memory_space<hbm>> -> memref<16384xi32, #tpu.memory_space<hbm>>
      tpu.enqueue_dma source(%dma_start3A_57 : memref<16384xi32, #tpu.memory_space<hbm>>) target(%arg7 : memref<16384xi32, #tpu.memory_space<vmem>>) target_semaphore(%run_scoped3A : memref<!tpu.dma_semaphore, #tpu.memory_space<semaphore_mem>>)
      %dma_wait3A_58 = tpu.memref_slice %arg2[%mul3A_2] : memref<524288xi32, #tpu.memory_space<hbm>> -> memref<16384xi32, #tpu.memory_space<hbm>>
      %dma_wait3A_59 = tpu.memref_slice %arg2[%mul3A_2] : memref<524288xi32, #tpu.memory_space<hbm>> -> memref<16384xi32, #tpu.memory_space<hbm>>
      tpu.wait_dma2 semaphore(%run_scoped3A : memref<!tpu.dma_semaphore, #tpu.memory_space<semaphore_mem>>) src(%dma_wait3A_59 : memref<16384xi32, #tpu.memory_space<hbm>>) dst(%arg7 : memref<16384xi32, #tpu.memory_space<vmem>>)
      tpu.yield
    }) : () -> ()
    %dma_start3A = arith.constant 0 : i32
    %dma_start3A_3 = arith.constant 0 : i32
    %dma_start3A_4 = arith.constant 0 : i32
    %dma_start3A_5 = tpu.memref_slice %arg8[%dma_start3A, %dma_start3A_3, %dma_start3A_4] : memref<2x64x128xf32, #tpu.memory_space<vmem>> -> memref<1x64x128xf32, #tpu.memory_space<vmem>>
    %dma_start3A_6 = tpu.memref_squeeze %dma_start3A_5 : memref<1x64x128xf32, #tpu.memory_space<vmem>> -> memref<64x128xf32, #tpu.memory_space<vmem>>
    %dma_start3A_7 = arith.constant 0 : i32
    %dma_start3A_8 = tpu.memref_slice %arg7[%dma_start3A_7] : memref<16384xi32, #tpu.memory_space<vmem>> -> memref<64xi32, #tpu.memory_space<vmem>>
    %dma_start3A_9 = arith.constant 0 : i32
    %dma_start3A_10 = arith.constant 0 : i32
    %dma_start3A_11 = tpu.memref_slice %arg3[%dma_start3A_9, %dma_start3A_10] : memref<100000x128xf32, #tpu.memory_space<hbm>> -> memref<100000x128xf32, #tpu.memory_space<hbm>>
    tpu.enqueue_indirect_dma source(%dma_start3A_11 : memref<100000x128xf32, #tpu.memory_space<hbm>>) target(%dma_start3A_6 : memref<64x128xf32, #tpu.memory_space<vmem>>) offsets(%dma_start3A_8 : memref<64xi32, #tpu.memory_space<vmem>>) semaphore(%arg10 : memref<!tpu.dma_semaphore, #tpu.memory_space<semaphore_mem>>)
    %dma_start3A_12 = arith.constant 1 : i32
    %dma_start3A_13 = arith.constant 0 : i32
    %dma_start3A_14 = arith.constant 0 : i32
    %dma_start3A_15 = tpu.memref_slice %arg8[%dma_start3A_12, %dma_start3A_13, %dma_start3A_14] : memref<2x64x128xf32, #tpu.memory_space<vmem>> -> memref<1x64x128xf32, #tpu.memory_space<vmem>>
    %dma_start3A_16 = tpu.memref_squeeze %dma_start3A_15 : memref<1x64x128xf32, #tpu.memory_space<vmem>> -> memref<64x128xf32, #tpu.memory_space<vmem>>
    %dma_start3A_17 = arith.constant 64 : i32
    %dma_start3A_18 = tpu.memref_slice %arg7[%dma_start3A_17] : memref<16384xi32, #tpu.memory_space<vmem>> -> memref<64xi32, #tpu.memory_space<vmem>>
    %dma_start3A_19 = arith.constant 0 : i32
    %dma_start3A_20 = arith.constant 0 : i32
    %dma_start3A_21 = tpu.memref_slice %arg3[%dma_start3A_19, %dma_start3A_20] : memref<100000x128xf32, #tpu.memory_space<hbm>> -> memref<100000x128xf32, #tpu.memory_space<hbm>>
    tpu.enqueue_indirect_dma source(%dma_start3A_21 : memref<100000x128xf32, #tpu.memory_space<hbm>>) target(%dma_start3A_16 : memref<64x128xf32, #tpu.memory_space<vmem>>) offsets(%dma_start3A_18 : memref<64xi32, #tpu.memory_space<vmem>>) semaphore(%arg11 : memref<!tpu.dma_semaphore, #tpu.memory_space<semaphore_mem>>)
    %scan3A = arith.constant 0 : i32
    %scan3A_22 = arith.constant 0 : i32
    %scan3A_23 = arith.constant 128 : i32
    %scan3A_24 = arith.addi %scan3A_22, %scan3A_23 : i32
    %scan3A_25 = arith.constant 1 : i32
    scf.for %scan3A_56 = %scan3A_22 to %scan3A_24 step %scan3A_25  : i32 {
      %mul3A_57 = arith.constant 2 : i32
      %mul3A_58 = arith.muli %scan3A_56, %mul3A_57 : i32
      %add3A_59 = arith.constant 0 : i32
      %add3A_60 = arith.addi %mul3A_58, %add3A_59 : i32
      %dma_wait3A_61 = arith.constant 0 : i32
      %dma_wait3A_62 = arith.constant 0 : i32
      %dma_wait3A_63 = arith.constant 0 : i32
      %dma_wait3A_64 = tpu.memref_slice %arg8[%dma_wait3A_61, %dma_wait3A_62, %dma_wait3A_63] : memref<2x64x128xf32, #tpu.memory_space<vmem>> -> memref<1x64x128xf32, #tpu.memory_space<vmem>>
      %dma_wait3A_65 = tpu.memref_squeeze %dma_wait3A_64 : memref<1x64x128xf32, #tpu.memory_space<vmem>> -> memref<64x128xf32, #tpu.memory_space<vmem>>
      %dma_wait3A_66 = arith.constant 0 : i32
      %dma_wait3A_67 = tpu.memref_slice %arg7[%dma_wait3A_66] : memref<16384xi32, #tpu.memory_space<vmem>> -> memref<64xi32, #tpu.memory_space<vmem>>
      %dma_wait3A_68 = arith.constant 0 : i32
      %dma_wait3A_69 = arith.constant 0 : i32
      %dma_wait3A_70 = tpu.memref_slice %arg3[%dma_wait3A_68, %dma_wait3A_69] : memref<100000x128xf32, #tpu.memory_space<hbm>> -> memref<100000x128xf32, #tpu.memory_space<hbm>>
      tpu.wait_indirect_dma semaphore(%arg10 : memref<!tpu.dma_semaphore, #tpu.memory_space<semaphore_mem>>) src(%dma_wait3A_70 : memref<100000x128xf32, #tpu.memory_space<hbm>>) dst(%dma_wait3A_65 : memref<64x128xf32, #tpu.memory_space<vmem>>)
      %gt3A = arith.constant 0 : i32
      %gt3A_71 = arith.cmpi sgt, %scan3A_56, %gt3A : i32
      %convert_element_type3A = arith.extui %gt3A_71 : i1 to i32
      %cond3A = arith.constant 0 : i32
      %cond3A_72 = arith.cmpi ne, %convert_element_type3A, %cond3A : i32
      scf.if %cond3A_72 {
        %dma_wait3A_154 = arith.constant 0 : i32
        %dma_wait3A_155 = arith.constant 0 : i32
        %dma_wait3A_156 = arith.constant 0 : i32
        %dma_wait3A_157 = tpu.memref_slice %arg9[%dma_wait3A_154, %dma_wait3A_155, %dma_wait3A_156] : memref<2x64x128xf32, #tpu.memory_space<vmem>> -> memref<1x64x128xf32, #tpu.memory_space<vmem>>
        %dma_wait3A_158 = tpu.memref_squeeze %dma_wait3A_157 : memref<1x64x128xf32, #tpu.memory_space<vmem>> -> memref<64x128xf32, #tpu.memory_space<vmem>>
        %dma_wait3A_159 = arith.constant 0 : i32
        %dma_wait3A_160 = arith.constant 0 : i32
        %dma_wait3A_161 = tpu.memref_slice %arg5[%dma_wait3A_159, %dma_wait3A_160] : memref<524288x128xf32, #tpu.memory_space<hbm>> -> memref<64x128xf32, #tpu.memory_space<hbm>>
        %dma_wait3A_162 = arith.constant 0 : i32
        %dma_wait3A_163 = arith.constant 0 : i32
        %dma_wait3A_164 = tpu.memref_slice %arg5[%dma_wait3A_162, %dma_wait3A_163] : memref<524288x128xf32, #tpu.memory_space<hbm>> -> memref<64x128xf32, #tpu.memory_space<hbm>>
        %dma_wait3A_165 = arith.constant 0 : i32
        %dma_wait3A_166 = arith.constant 0 : i32
        %dma_wait3A_167 = tpu.memref_slice %arg9[%dma_wait3A_154, %dma_wait3A_165, %dma_wait3A_166] : memref<2x64x128xf32, #tpu.memory_space<vmem>> -> memref<1x64x128xf32, #tpu.memory_space<vmem>>
        %dma_wait3A_168 = tpu.memref_squeeze %dma_wait3A_167 : memref<1x64x128xf32, #tpu.memory_space<vmem>> -> memref<64x128xf32, #tpu.memory_space<vmem>>
        tpu.wait_dma2 semaphore(%arg12 : memref<!tpu.dma_semaphore, #tpu.memory_space<semaphore_mem>>) src(%dma_wait3A_168 : memref<64x128xf32, #tpu.memory_space<vmem>>) dst(%dma_wait3A_164 : memref<64x128xf32, #tpu.memory_space<hbm>>)
      } else {
      }
      %rem3A = arith.constant 8 : i32
      %rem3A_73 = arith.remsi %add3A_60, %rem3A : i32
      %mul3A_74 = arith.constant 64 : i32
      %mul3A_75 = arith.muli %rem3A_73, %mul3A_74 : i32
      %scan3A_76 = arith.constant 0 : i32
      %scan3A_77 = arith.constant 0 : i32
      %scan3A_78 = arith.constant 64 : i32
      %scan3A_79 = arith.addi %scan3A_77, %scan3A_78 : i32
      %scan3A_80 = arith.constant 1 : i32
      scf.for %scan3A_154 = %scan3A_77 to %scan3A_79 step %scan3A_80  : i32 {
        %add3A_155 = arith.addi %mul3A_75, %scan3A_154 : i32
        %get3A = arith.constant 0 : i32
        %get3A_156 = arith.index_cast %get3A : i32 to index
        %get3A_157 = arith.index_cast %scan3A_154 : i32 to index
        %get3A_158 = arith.constant 0 : index
        %get3A_159 = tpu.vector_load %arg8[%get3A_156, %get3A_157, %get3A_158] {strides = array<i32>} : memref<2x64x128xf32, #tpu.memory_space<vmem>>, vector<1x1x16xf32>,
        %get3A_160 = vector.shape_cast %get3A_159 : vector<1x1x16xf32> to vector<16xf32>
        %mul3A_161 = arith.constant 11.3137083 : f32
        %mul3A_162 = vector.broadcast %mul3A_161 : f32 to vector<16xf32>
        %mul3A_163 = arith.mulf %get3A_160, %mul3A_162 : vector<16xf32>
        %get3A_164 = arith.index_cast %add3A_155 : i32 to index
        %get3A_165 = arith.constant 0 : index
        %get3A_166 = tpu.vector_load %arg6[%get3A_164, %get3A_165] {strides = array<i32>} : memref<512x128xf32, #tpu.memory_space<vmem>>, vector<1x16xf32>,
        %get3A_167 = vector.shape_cast %get3A_166 : vector<1x16xf32> to vector<16xf32>
        %add3A_168 = arith.addf %mul3A_163, %get3A_167 : vector<16xf32>
        %swap3A = arith.constant 0 : i32
        %swap3A_169 = arith.index_cast %swap3A : i32 to index
        %swap3A_170 = arith.index_cast %scan3A_154 : i32 to index
        %swap3A_171 = arith.constant 0 : index
        %swap3A_172 = tpu.vector_load %arg9[%swap3A_169, %swap3A_170, %swap3A_171] {strides = array<i32>} : memref<2x64x128xf32, #tpu.memory_space<vmem>>, vector<1x1x16xf32>,
        %swap3A_173 = vector.shape_cast %swap3A_172 : vector<1x1x16xf32> to vector<16xf32>
        %swap3A_174 = vector.shape_cast %add3A_168 : vector<16xf32> to vector<1x1x16xf32>
        tpu.vector_store %arg9[%swap3A_169, %swap3A_170, %swap3A_171], %swap3A_174 {strides = array<i32>} : memref<2x64x128xf32, #tpu.memory_space<vmem>>, vector<1x1x16xf32>,
        %get3A_175 = arith.constant 0 : i32
        %get3A_176 = arith.index_cast %get3A_175 : i32 to index
        %get3A_177 = arith.index_cast %scan3A_154 : i32 to index
        %get3A_178 = arith.constant 16 : index
        %get3A_179 = tpu.vector_load %arg8[%get3A_176, %get3A_177, %get3A_178] {strides = array<i32>} : memref<2x64x128xf32, #tpu.memory_space<vmem>>, vector<1x1x16xf32>,
        %get3A_180 = vector.shape_cast %get3A_179 : vector<1x1x16xf32> to vector<16xf32>
        %mul3A_181 = arith.constant 11.3137083 : f32
        %mul3A_182 = vector.broadcast %mul3A_181 : f32 to vector<16xf32>
        %mul3A_183 = arith.mulf %get3A_180, %mul3A_182 : vector<16xf32>
        %get3A_184 = arith.index_cast %add3A_155 : i32 to index
        %get3A_185 = arith.constant 16 : index
        %get3A_186 = tpu.vector_load %arg6[%get3A_184, %get3A_185] {strides = array<i32>} : memref<512x128xf32, #tpu.memory_space<vmem>>, vector<1x16xf32>,
        %get3A_187 = vector.shape_cast %get3A_186 : vector<1x16xf32> to vector<16xf32>
        %add3A_188 = arith.addf %mul3A_183, %get3A_187 : vector<16xf32>
        %swap3A_189 = arith.constant 0 : i32
        %swap3A_190 = arith.index_cast %swap3A_189 : i32 to index
        %swap3A_191 = arith.index_cast %scan3A_154 : i32 to index
        %swap3A_192 = arith.constant 16 : index
        %swap3A_193 = tpu.vector_load %arg9[%swap3A_190, %swap3A_191, %swap3A_192] {strides = array<i32>} : memref<2x64x128xf32, #tpu.memory_space<vmem>>, vector<1x1x16xf32>,
        %swap3A_194 = vector.shape_cast %swap3A_193 : vector<1x1x16xf32> to vector<16xf32>
        %swap3A_195 = vector.shape_cast %add3A_188 : vector<16xf32> to vector<1x1x16xf32>
        tpu.vector_store %arg9[%swap3A_190, %swap3A_191, %swap3A_192], %swap3A_195 {strides = array<i32>} : memref<2x64x128xf32, #tpu.memory_space<vmem>>, vector<1x1x16xf32>,
        %get3A_196 = arith.constant 0 : i32
        %get3A_197 = arith.index_cast %get3A_196 : i32 to index
        %get3A_198 = arith.index_cast %scan3A_154 : i32 to index
        %get3A_199 = arith.constant 32 : index
        %get3A_200 = tpu.vector_load %arg8[%get3A_197, %get3A_198, %get3A_199] {strides = array<i32>} : memref<2x64x128xf32, #tpu.memory_space<vmem>>, vector<1x1x16xf32>,
        %get3A_201 = vector.shape_cast %get3A_200 : vector<1x1x16xf32> to vector<16xf32>
        %mul3A_202 = arith.constant 11.3137083 : f32
        %mul3A_203 = vector.broadcast %mul3A_202 : f32 to vector<16xf32>
        %mul3A_204 = arith.mulf %get3A_201, %mul3A_203 : vector<16xf32>
        %get3A_205 = arith.index_cast %add3A_155 : i32 to index
        %get3A_206 = arith.constant 32 : index
        %get3A_207 = tpu.vector_load %arg6[%get3A_205, %get3A_206] {strides = array<i32>} : memref<512x128xf32, #tpu.memory_space<vmem>>, vector<1x16xf32>,
        %get3A_208 = vector.shape_cast %get3A_207 : vector<1x16xf32> to vector<16xf32>
        %add3A_209 = arith.addf %mul3A_204, %get3A_208 : vector<16xf32>
        %swap3A_210 = arith.constant 0 : i32
        %swap3A_211 = arith.index_cast %swap3A_210 : i32 to index
        %swap3A_212 = arith.index_cast %scan3A_154 : i32 to index
        %swap3A_213 = arith.constant 32 : index
        %swap3A_214 = tpu.vector_load %arg9[%swap3A_211, %swap3A_212, %swap3A_213] {strides = array<i32>} : memref<2x64x128xf32, #tpu.memory_space<vmem>>, vector<1x1x16xf32>,
        %swap3A_215 = vector.shape_cast %swap3A_214 : vector<1x1x16xf32> to vector<16xf32>
        %swap3A_216 = vector.shape_cast %add3A_209 : vector<16xf32> to vector<1x1x16xf32>
        tpu.vector_store %arg9[%swap3A_211, %swap3A_212, %swap3A_213], %swap3A_216 {strides = array<i32>} : memref<2x64x128xf32, #tpu.memory_space<vmem>>, vector<1x1x16xf32>,
        %get3A_217 = arith.constant 0 : i32
        %get3A_218 = arith.index_cast %get3A_217 : i32 to index
        %get3A_219 = arith.index_cast %scan3A_154 : i32 to index
        %get3A_220 = arith.constant 48 : index
        %get3A_221 = tpu.vector_load %arg8[%get3A_218, %get3A_219, %get3A_220] {strides = array<i32>} : memref<2x64x128xf32, #tpu.memory_space<vmem>>, vector<1x1x16xf32>,
        %get3A_222 = vector.shape_cast %get3A_221 : vector<1x1x16xf32> to vector<16xf32>
        %mul3A_223 = arith.constant 11.3137083 : f32
        %mul3A_224 = vector.broadcast %mul3A_223 : f32 to vector<16xf32>
        %mul3A_225 = arith.mulf %get3A_222, %mul3A_224 : vector<16xf32>
        %get3A_226 = arith.index_cast %add3A_155 : i32 to index
        %get3A_227 = arith.constant 48 : index
        %get3A_228 = tpu.vector_load %arg6[%get3A_226, %get3A_227] {strides = array<i32>} : memref<512x128xf32, #tpu.memory_space<vmem>>, vector<1x16xf32>,
        %get3A_229 = vector.shape_cast %get3A_228 : vector<1x16xf32> to vector<16xf32>
        %add3A_230 = arith.addf %mul3A_225, %get3A_229 : vector<16xf32>
        %swap3A_231 = arith.constant 0 : i32
        %swap3A_232 = arith.index_cast %swap3A_231 : i32 to index
        %swap3A_233 = arith.index_cast %scan3A_154 : i32 to index
        %swap3A_234 = arith.constant 48 : index
        %swap3A_235 = tpu.vector_load %arg9[%swap3A_232, %swap3A_233, %swap3A_234] {strides = array<i32>} : memref<2x64x128xf32, #tpu.memory_space<vmem>>, vector<1x1x16xf32>,
        %swap3A_236 = vector.shape_cast %swap3A_235 : vector<1x1x16xf32> to vector<16xf32>
        %swap3A_237 = vector.shape_cast %add3A_230 : vector<16xf32> to vector<1x1x16xf32>
        tpu.vector_store %arg9[%swap3A_232, %swap3A_233, %swap3A_234], %swap3A_237 {strides = array<i32>} : memref<2x64x128xf32, #tpu.memory_space<vmem>>, vector<1x1x16xf32>,
        %get3A_238 = arith.constant 0 : i32
        %get3A_239 = arith.index_cast %get3A_238 : i32 to index
        %get3A_240 = arith.index_cast %scan3A_154 : i32 to index
        %get3A_241 = arith.constant 64 : index
        %get3A_242 = tpu.vector_load %arg8[%get3A_239, %get3A_240, %get3A_241] {strides = array<i32>} : memref<2x64x128xf32, #tpu.memory_space<vmem>>, vector<1x1x16xf32>,
        %get3A_243 = vector.shape_cast %get3A_242 : vector<1x1x16xf32> to vector<16xf32>
        %mul3A_244 = arith.constant 11.3137083 : f32
        %mul3A_245 = vector.broadcast %mul3A_244 : f32 to vector<16xf32>
        %mul3A_246 = arith.mulf %get3A_243, %mul3A_245 : vector<16xf32>
        %get3A_247 = arith.index_cast %add3A_155 : i32 to index
        %get3A_248 = arith.constant 64 : index
        %get3A_249 = tpu.vector_load %arg6[%get3A_247, %get3A_248] {strides = array<i32>} : memref<512x128xf32, #tpu.memory_space<vmem>>, vector<1x16xf32>,
        %get3A_250 = vector.shape_cast %get3A_249 : vector<1x16xf32> to vector<16xf32>
        %add3A_251 = arith.addf %mul3A_246, %get3A_250 : vector<16xf32>
        %swap3A_252 = arith.constant 0 : i32
        %swap3A_253 = arith.index_cast %swap3A_252 : i32 to index
        %swap3A_254 = arith.index_cast %scan3A_154 : i32 to index
        %swap3A_255 = arith.constant 64 : index
        %swap3A_256 = tpu.vector_load %arg9[%swap3A_253, %swap3A_254, %swap3A_255] {strides = array<i32>} : memref<2x64x128xf32, #tpu.memory_space<vmem>>, vector<1x1x16xf32>,
        %swap3A_257 = vector.shape_cast %swap3A_256 : vector<1x1x16xf32> to vector<16xf32>
        %swap3A_258 = vector.shape_cast %add3A_251 : vector<16xf32> to vector<1x1x16xf32>
        tpu.vector_store %arg9[%swap3A_253, %swap3A_254, %swap3A_255], %swap3A_258 {strides = array<i32>} : memref<2x64x128xf32, #tpu.memory_space<vmem>>, vector<1x1x16xf32>,
        %get3A_259 = arith.constant 0 : i32
        %get3A_260 = arith.index_cast %get3A_259 : i32 to index
        %get3A_261 = arith.index_cast %scan3A_154 : i32 to index
        %get3A_262 = arith.constant 80 : index
        %get3A_263 = tpu.vector_load %arg8[%get3A_260, %get3A_261, %get3A_262] {strides = array<i32>} : memref<2x64x128xf32, #tpu.memory_space<vmem>>, vector<1x1x16xf32>,
        %get3A_264 = vector.shape_cast %get3A_263 : vector<1x1x16xf32> to vector<16xf32>
        %mul3A_265 = arith.constant 11.3137083 : f32
        %mul3A_266 = vector.broadcast %mul3A_265 : f32 to vector<16xf32>
        %mul3A_267 = arith.mulf %get3A_264, %mul3A_266 : vector<16xf32>
        %get3A_268 = arith.index_cast %add3A_155 : i32 to index
        %get3A_269 = arith.constant 80 : index
        %get3A_270 = tpu.vector_load %arg6[%get3A_268, %get3A_269] {strides = array<i32>} : memref<512x128xf32, #tpu.memory_space<vmem>>, vector<1x16xf32>,
        %get3A_271 = vector.shape_cast %get3A_270 : vector<1x16xf32> to vector<16xf32>
        %add3A_272 = arith.addf %mul3A_267, %get3A_271 : vector<16xf32>
        %swap3A_273 = arith.constant 0 : i32
        %swap3A_274 = arith.index_cast %swap3A_273 : i32 to index
        %swap3A_275 = arith.index_cast %scan3A_154 : i32 to index
        %swap3A_276 = arith.constant 80 : index
        %swap3A_277 = tpu.vector_load %arg9[%swap3A_274, %swap3A_275, %swap3A_276] {strides = array<i32>} : memref<2x64x128xf32, #tpu.memory_space<vmem>>, vector<1x1x16xf32>,
        %swap3A_278 = vector.shape_cast %swap3A_277 : vector<1x1x16xf32> to vector<16xf32>
        %swap3A_279 = vector.shape_cast %add3A_272 : vector<16xf32> to vector<1x1x16xf32>
        tpu.vector_store %arg9[%swap3A_274, %swap3A_275, %swap3A_276], %swap3A_279 {strides = array<i32>} : memref<2x64x128xf32, #tpu.memory_space<vmem>>, vector<1x1x16xf32>,
        %get3A_280 = arith.constant 0 : i32
        %get3A_281 = arith.index_cast %get3A_280 : i32 to index
        %get3A_282 = arith.index_cast %scan3A_154 : i32 to index
        %get3A_283 = arith.constant 96 : index
        %get3A_284 = tpu.vector_load %arg8[%get3A_281, %get3A_282, %get3A_283] {strides = array<i32>} : memref<2x64x128xf32, #tpu.memory_space<vmem>>, vector<1x1x16xf32>,
        %get3A_285 = vector.shape_cast %get3A_284 : vector<1x1x16xf32> to vector<16xf32>
        %mul3A_286 = arith.constant 11.3137083 : f32
        %mul3A_287 = vector.broadcast %mul3A_286 : f32 to vector<16xf32>
        %mul3A_288 = arith.mulf %get3A_285, %mul3A_287 : vector<16xf32>
        %get3A_289 = arith.index_cast %add3A_155 : i32 to index
        %get3A_290 = arith.constant 96 : index
        %get3A_291 = tpu.vector_load %arg6[%get3A_289, %get3A_290] {strides = array<i32>} : memref<512x128xf32, #tpu.memory_space<vmem>>, vector<1x16xf32>,
        %get3A_292 = vector.shape_cast %get3A_291 : vector<1x16xf32> to vector<16xf32>
        %add3A_293 = arith.addf %mul3A_288, %get3A_292 : vector<16xf32>
        %swap3A_294 = arith.constant 0 : i32
        %swap3A_295 = arith.index_cast %swap3A_294 : i32 to index
        %swap3A_296 = arith.index_cast %scan3A_154 : i32 to index
        %swap3A_297 = arith.constant 96 : index
        %swap3A_298 = tpu.vector_load %arg9[%swap3A_295, %swap3A_296, %swap3A_297] {strides = array<i32>} : memref<2x64x128xf32, #tpu.memory_space<vmem>>, vector<1x1x16xf32>,
        %swap3A_299 = vector.shape_cast %swap3A_298 : vector<1x1x16xf32> to vector<16xf32>
        %swap3A_300 = vector.shape_cast %add3A_293 : vector<16xf32> to vector<1x1x16xf32>
        tpu.vector_store %arg9[%swap3A_295, %swap3A_296, %swap3A_297], %swap3A_300 {strides = array<i32>} : memref<2x64x128xf32, #tpu.memory_space<vmem>>, vector<1x1x16xf32>,
        %get3A_301 = arith.constant 0 : i32
        %get3A_302 = arith.index_cast %get3A_301 : i32 to index
        %get3A_303 = arith.index_cast %scan3A_154 : i32 to index
        %get3A_304 = arith.constant 112 : index
        %get3A_305 = tpu.vector_load %arg8[%get3A_302, %get3A_303, %get3A_304] {strides = array<i32>} : memref<2x64x128xf32, #tpu.memory_space<vmem>>, vector<1x1x16xf32>,
        %get3A_306 = vector.shape_cast %get3A_305 : vector<1x1x16xf32> to vector<16xf32>
        %mul3A_307 = arith.constant 11.3137083 : f32
        %mul3A_308 = vector.broadcast %mul3A_307 : f32 to vector<16xf32>
        %mul3A_309 = arith.mulf %get3A_306, %mul3A_308 : vector<16xf32>
        %get3A_310 = arith.index_cast %add3A_155 : i32 to index
        %get3A_311 = arith.constant 112 : index
        %get3A_312 = tpu.vector_load %arg6[%get3A_310, %get3A_311] {strides = array<i32>} : memref<512x128xf32, #tpu.memory_space<vmem>>, vector<1x16xf32>,
        %get3A_313 = vector.shape_cast %get3A_312 : vector<1x16xf32> to vector<16xf32>
        %add3A_314 = arith.addf %mul3A_309, %get3A_313 : vector<16xf32>
        %swap3A_315 = arith.constant 0 : i32
        %swap3A_316 = arith.index_cast %swap3A_315 : i32 to index
        %swap3A_317 = arith.index_cast %scan3A_154 : i32 to index
        %swap3A_318 = arith.constant 112 : index
        %swap3A_319 = tpu.vector_load %arg9[%swap3A_316, %swap3A_317, %swap3A_318] {strides = array<i32>} : memref<2x64x128xf32, #tpu.memory_space<vmem>>, vector<1x1x16xf32>,
        %swap3A_320 = vector.shape_cast %swap3A_319 : vector<1x1x16xf32> to vector<16xf32>
        %swap3A_321 = vector.shape_cast %add3A_314 : vector<16xf32> to vector<1x1x16xf32>
        tpu.vector_store %arg9[%swap3A_316, %swap3A_317, %swap3A_318], %swap3A_321 {strides = array<i32>} : memref<2x64x128xf32, #tpu.memory_space<vmem>>, vector<1x1x16xf32>,
      }
      %scan3A_81 = arith.constant 64 : i32
      %mul3A_82 = arith.constant 64 : i32
      %mul3A_83 = arith.muli %add3A_60, %mul3A_82 : i32
      %add3A_84 = arith.addi %mul3A_2, %mul3A_83 : i32
      %dma_start3A_85 = arith.constant 0 : i32
      %dma_start3A_86 = arith.constant 0 : i32
      %dma_start3A_87 = arith.constant 0 : i32
      %dma_start3A_88 = tpu.memref_slice %arg9[%dma_start3A_85, %dma_start3A_86, %dma_start3A_87] : memref<2x64x128xf32, #tpu.memory_space<vmem>> -> memref<1x64x128xf32, #tpu.memory_space<vmem>>
      %dma_start3A_89 = tpu.memref_squeeze %dma_start3A_88 : memref<1x64x128xf32, #tpu.memory_space<vmem>> -> memref<64x128xf32, #tpu.memory_space<vmem>>
      %dma_start3A_90 = arith.constant 0 : i32
      %dma_start3A_91 = tpu.memref_slice %arg5[%add3A_84, %dma_start3A_90] : memref<524288x128xf32, #tpu.memory_space<hbm>> -> memref<64x128xf32, #tpu.memory_space<hbm>>
      %dma_start3A_92 = arith.constant 0 : i32
      %dma_start3A_93 = tpu.memref_slice %arg5[%add3A_84, %dma_start3A_92] : memref<524288x128xf32, #tpu.memory_space<hbm>> -> memref<64x128xf32, #tpu.memory_space<hbm>>
      %dma_start3A_94 = arith.constant 0 : i32
      %dma_start3A_95 = arith.constant 0 : i32
      %dma_start3A_96 = tpu.memref_slice %arg9[%dma_start3A_85, %dma_start3A_94, %dma_start3A_95] : memref<2x64x128xf32, #tpu.memory_space<vmem>> -> memref<1x64x128xf32, #tpu.memory_space<vmem>>
      %dma_start3A_97 = tpu.memref_squeeze %dma_start3A_96 : memref<1x64x128xf32, #tpu.memory_space<vmem>> -> memref<64x128xf32, #tpu.memory_space<vmem>>
      tpu.enqueue_dma source(%dma_start3A_97 : memref<64x128xf32, #tpu.memory_space<vmem>>) target(%dma_start3A_93 : memref<64x128xf32, #tpu.memory_space<hbm>>) target_semaphore(%arg12 : memref<!tpu.dma_semaphore, #tpu.memory_space<semaphore_mem>>)
      %add3A_98 = arith.constant 2 : i32
      %add3A_99 = arith.addi %add3A_60, %add3A_98 : i32
      %lt3A = arith.constant 256 : i32
      %lt3A_100 = arith.cmpi slt, %add3A_99, %lt3A : i32
      %convert_element_type3A_101 = arith.extui %lt3A_100 : i1 to i32
      %cond3A_102 = arith.constant 0 : i32
      %cond3A_103 = arith.cmpi ne, %convert_element_type3A_101, %cond3A_102 : i32
      scf.if %cond3A_103 {
        %add3A_154 = arith.constant 2 : i32
        %add3A_155 = arith.addi %add3A_60, %add3A_154 : i32
        %mul3A_156 = arith.constant 64 : i32
        %mul3A_157 = arith.muli %add3A_155, %mul3A_156 : i32
        %dma_start3A_158 = arith.constant 0 : i32
        %dma_start3A_159 = arith.constant 0 : i32
        %dma_start3A_160 = arith.constant 0 : i32
        %dma_start3A_161 = tpu.memref_slice %arg8[%dma_start3A_158, %dma_start3A_159, %dma_start3A_160] : memref<2x64x128xf32, #tpu.memory_space<vmem>> -> memref<1x64x128xf32, #tpu.memory_space<vmem>>
        %dma_start3A_162 = tpu.memref_squeeze %dma_start3A_161 : memref<1x64x128xf32, #tpu.memory_space<vmem>> -> memref<64x128xf32, #tpu.memory_space<vmem>>
        %dma_start3A_163 = tpu.memref_slice %arg7[%mul3A_157] : memref<16384xi32, #tpu.memory_space<vmem>> -> memref<64xi32, #tpu.memory_space<vmem>>
        %dma_start3A_164 = arith.constant 0 : i32
        %dma_start3A_165 = arith.constant 0 : i32
        %dma_start3A_166 = tpu.memref_slice %arg3[%dma_start3A_164, %dma_start3A_165] : memref<100000x128xf32, #tpu.memory_space<hbm>> -> memref<100000x128xf32, #tpu.memory_space<hbm>>
        tpu.enqueue_indirect_dma source(%dma_start3A_166 : memref<100000x128xf32, #tpu.memory_space<hbm>>) target(%dma_start3A_162 : memref<64x128xf32, #tpu.memory_space<vmem>>) offsets(%dma_start3A_163 : memref<64xi32, #tpu.memory_space<vmem>>) semaphore(%arg10 : memref<!tpu.dma_semaphore, #tpu.memory_space<semaphore_mem>>)
      } else {
      }
      %add3A_104 = arith.constant 1 : i32
      %add3A_105 = arith.addi %mul3A_58, %add3A_104 : i32
      %dma_wait3A_106 = arith.constant 1 : i32
      %dma_wait3A_107 = arith.constant 0 : i32
      %dma_wait3A_108 = arith.constant 0 : i32
      %dma_wait3A_109 = tpu.memref_slice %arg8[%dma_wait3A_106, %dma_wait3A_107, %dma_wait3A_108] : memref<2x64x128xf32, #tpu.memory_space<vmem>> -> memref<1x64x128xf32, #tpu.memory_space<vmem>>
      %dma_wait3A_110 = tpu.memref_squeeze %dma_wait3A_109 : memref<1x64x128xf32, #tpu.memory_space<vmem>> -> memref<64x128xf32, #tpu.memory_space<vmem>>
      %dma_wait3A_111 = arith.constant 0 : i32
      %dma_wait3A_112 = tpu.memref_slice %arg7[%dma_wait3A_111] : memref<16384xi32, #tpu.memory_space<vmem>> -> memref<64xi32, #tpu.memory_space<vmem>>
      %dma_wait3A_113 = arith.constant 0 : i32
      %dma_wait3A_114 = arith.constant 0 : i32
      %dma_wait3A_115 = tpu.memref_slice %arg3[%dma_wait3A_113, %dma_wait3A_114] : memref<100000x128xf32, #tpu.memory_space<hbm>> -> memref<100000x128xf32, #tpu.memory_space<hbm>>
      tpu.wait_indirect_dma semaphore(%arg11 : memref<!tpu.dma_semaphore, #tpu.memory_space<semaphore_mem>>) src(%dma_wait3A_115 : memref<100000x128xf32, #tpu.memory_space<hbm>>) dst(%dma_wait3A_110 : memref<64x128xf32, #tpu.memory_space<vmem>>)
      %gt3A_116 = arith.constant 0 : i32
      %gt3A_117 = arith.cmpi sgt, %scan3A_56, %gt3A_116 : i32
      %convert_element_type3A_118 = arith.extui %gt3A_117 : i1 to i32
      %cond3A_119 = arith.constant 0 : i32
      %cond3A_120 = arith.cmpi ne, %convert_element_type3A_118, %cond3A_119 : i32
      scf.if %cond3A_120 {
        %dma_wait3A_154 = arith.constant 1 : i32
        %dma_wait3A_155 = arith.constant 0 : i32
        %dma_wait3A_156 = arith.constant 0 : i32
        %dma_wait3A_157 = tpu.memref_slice %arg9[%dma_wait3A_154, %dma_wait3A_155, %dma_wait3A_156] : memref<2x64x128xf32, #tpu.memory_space<vmem>> -> memref<1x64x128xf32, #tpu.memory_space<vmem>>
        %dma_wait3A_158 = tpu.memref_squeeze %dma_wait3A_157 : memref<1x64x128xf32, #tpu.memory_space<vmem>> -> memref<64x128xf32, #tpu.memory_space<vmem>>
        %dma_wait3A_159 = arith.constant 0 : i32
        %dma_wait3A_160 = arith.constant 0 : i32
        %dma_wait3A_161 = tpu.memref_slice %arg5[%dma_wait3A_159, %dma_wait3A_160] : memref<524288x128xf32, #tpu.memory_space<hbm>> -> memref<64x128xf32, #tpu.memory_space<hbm>>
        %dma_wait3A_162 = arith.constant 0 : i32
        %dma_wait3A_163 = arith.constant 0 : i32
        %dma_wait3A_164 = tpu.memref_slice %arg5[%dma_wait3A_162, %dma_wait3A_163] : memref<524288x128xf32, #tpu.memory_space<hbm>> -> memref<64x128xf32, #tpu.memory_space<hbm>>
        %dma_wait3A_165 = arith.constant 0 : i32
        %dma_wait3A_166 = arith.constant 0 : i32
        %dma_wait3A_167 = tpu.memref_slice %arg9[%dma_wait3A_154, %dma_wait3A_165, %dma_wait3A_166] : memref<2x64x128xf32, #tpu.memory_space<vmem>> -> memref<1x64x128xf32, #tpu.memory_space<vmem>>
        %dma_wait3A_168 = tpu.memref_squeeze %dma_wait3A_167 : memref<1x64x128xf32, #tpu.memory_space<vmem>> -> memref<64x128xf32, #tpu.memory_space<vmem>>
        tpu.wait_dma2 semaphore(%arg13 : memref<!tpu.dma_semaphore, #tpu.memory_space<semaphore_mem>>) src(%dma_wait3A_168 : memref<64x128xf32, #tpu.memory_space<vmem>>) dst(%dma_wait3A_164 : memref<64x128xf32, #tpu.memory_space<hbm>>)
      } else {
      }
      %rem3A_121 = arith.constant 8 : i32
      %rem3A_122 = arith.remsi %add3A_105, %rem3A_121 : i32
      %mul3A_123 = arith.constant 64 : i32
      %mul3A_124 = arith.muli %rem3A_122, %mul3A_123 : i32
      %scan3A_125 = arith.constant 0 : i32
      %scan3A_126 = arith.constant 0 : i32
      %scan3A_127 = arith.constant 64 : i32
      %scan3A_128 = arith.addi %scan3A_126, %scan3A_127 : i32
      %scan3A_129 = arith.constant 1 : i32
      scf.for %scan3A_154 = %scan3A_126 to %scan3A_128 step %scan3A_129  : i32 {
        %add3A_155 = arith.addi %mul3A_124, %scan3A_154 : i32
        %get3A = arith.constant 1 : i32
        %get3A_156 = arith.index_cast %get3A : i32 to index
        %get3A_157 = arith.index_cast %scan3A_154 : i32 to index
        %get3A_158 = arith.constant 0 : index
        %get3A_159 = tpu.vector_load %arg8[%get3A_156, %get3A_157, %get3A_158] {strides = array<i32>} : memref<2x64x128xf32, #tpu.memory_space<vmem>>, vector<1x1x16xf32>,
        %get3A_160 = vector.shape_cast %get3A_159 : vector<1x1x16xf32> to vector<16xf32>
        %mul3A_161 = arith.constant 11.3137083 : f32
        %mul3A_162 = vector.broadcast %mul3A_161 : f32 to vector<16xf32>
        %mul3A_163 = arith.mulf %get3A_160, %mul3A_162 : vector<16xf32>
        %get3A_164 = arith.index_cast %add3A_155 : i32 to index
        %get3A_165 = arith.constant 0 : index
        %get3A_166 = tpu.vector_load %arg6[%get3A_164, %get3A_165] {strides = array<i32>} : memref<512x128xf32, #tpu.memory_space<vmem>>, vector<1x16xf32>,
        %get3A_167 = vector.shape_cast %get3A_166 : vector<1x16xf32> to vector<16xf32>
        %add3A_168 = arith.addf %mul3A_163, %get3A_167 : vector<16xf32>
        %swap3A = arith.constant 1 : i32
        %swap3A_169 = arith.index_cast %swap3A : i32 to index
        %swap3A_170 = arith.index_cast %scan3A_154 : i32 to index
        %swap3A_171 = arith.constant 0 : index
        %swap3A_172 = tpu.vector_load %arg9[%swap3A_169, %swap3A_170, %swap3A_171] {strides = array<i32>} : memref<2x64x128xf32, #tpu.memory_space<vmem>>, vector<1x1x16xf32>,
        %swap3A_173 = vector.shape_cast %swap3A_172 : vector<1x1x16xf32> to vector<16xf32>
        %swap3A_174 = vector.shape_cast %add3A_168 : vector<16xf32> to vector<1x1x16xf32>
        tpu.vector_store %arg9[%swap3A_169, %swap3A_170, %swap3A_171], %swap3A_174 {strides = array<i32>} : memref<2x64x128xf32, #tpu.memory_space<vmem>>, vector<1x1x16xf32>,
        %get3A_175 = arith.constant 1 : i32
        %get3A_176 = arith.index_cast %get3A_175 : i32 to index
        %get3A_177 = arith.index_cast %scan3A_154 : i32 to index
        %get3A_178 = arith.constant 16 : index
        %get3A_179 = tpu.vector_load %arg8[%get3A_176, %get3A_177, %get3A_178] {strides = array<i32>} : memref<2x64x128xf32, #tpu.memory_space<vmem>>, vector<1x1x16xf32>,
        %get3A_180 = vector.shape_cast %get3A_179 : vector<1x1x16xf32> to vector<16xf32>
        %mul3A_181 = arith.constant 11.3137083 : f32
        %mul3A_182 = vector.broadcast %mul3A_181 : f32 to vector<16xf32>
        %mul3A_183 = arith.mulf %get3A_180, %mul3A_182 : vector<16xf32>
        %get3A_184 = arith.index_cast %add3A_155 : i32 to index
        %get3A_185 = arith.constant 16 : index
        %get3A_186 = tpu.vector_load %arg6[%get3A_184, %get3A_185] {strides = array<i32>} : memref<512x128xf32, #tpu.memory_space<vmem>>, vector<1x16xf32>,
        %get3A_187 = vector.shape_cast %get3A_186 : vector<1x16xf32> to vector<16xf32>
        %add3A_188 = arith.addf %mul3A_183, %get3A_187 : vector<16xf32>
        %swap3A_189 = arith.constant 1 : i32
        %swap3A_190 = arith.index_cast %swap3A_189 : i32 to index
        %swap3A_191 = arith.index_cast %scan3A_154 : i32 to index
        %swap3A_192 = arith.constant 16 : index
        %swap3A_193 = tpu.vector_load %arg9[%swap3A_190, %swap3A_191, %swap3A_192] {strides = array<i32>} : memref<2x64x128xf32, #tpu.memory_space<vmem>>, vector<1x1x16xf32>,
        %swap3A_194 = vector.shape_cast %swap3A_193 : vector<1x1x16xf32> to vector<16xf32>
        %swap3A_195 = vector.shape_cast %add3A_188 : vector<16xf32> to vector<1x1x16xf32>
        tpu.vector_store %arg9[%swap3A_190, %swap3A_191, %swap3A_192], %swap3A_195 {strides = array<i32>} : memref<2x64x128xf32, #tpu.memory_space<vmem>>, vector<1x1x16xf32>,
        %get3A_196 = arith.constant 1 : i32
        %get3A_197 = arith.index_cast %get3A_196 : i32 to index
        %get3A_198 = arith.index_cast %scan3A_154 : i32 to index
        %get3A_199 = arith.constant 32 : index
        %get3A_200 = tpu.vector_load %arg8[%get3A_197, %get3A_198, %get3A_199] {strides = array<i32>} : memref<2x64x128xf32, #tpu.memory_space<vmem>>, vector<1x1x16xf32>,
        %get3A_201 = vector.shape_cast %get3A_200 : vector<1x1x16xf32> to vector<16xf32>
        %mul3A_202 = arith.constant 11.3137083 : f32
        %mul3A_203 = vector.broadcast %mul3A_202 : f32 to vector<16xf32>
        %mul3A_204 = arith.mulf %get3A_201, %mul3A_203 : vector<16xf32>
        %get3A_205 = arith.index_cast %add3A_155 : i32 to index
        %get3A_206 = arith.constant 32 : index
        %get3A_207 = tpu.vector_load %arg6[%get3A_205, %get3A_206] {strides = array<i32>} : memref<512x128xf32, #tpu.memory_space<vmem>>, vector<1x16xf32>,
        %get3A_208 = vector.shape_cast %get3A_207 : vector<1x16xf32> to vector<16xf32>
        %add3A_209 = arith.addf %mul3A_204, %get3A_208 : vector<16xf32>
        %swap3A_210 = arith.constant 1 : i32
        %swap3A_211 = arith.index_cast %swap3A_210 : i32 to index
        %swap3A_212 = arith.index_cast %scan3A_154 : i32 to index
        %swap3A_213 = arith.constant 32 : index
        %swap3A_214 = tpu.vector_load %arg9[%swap3A_211, %swap3A_212, %swap3A_213] {strides = array<i32>} : memref<2x64x128xf32, #tpu.memory_space<vmem>>, vector<1x1x16xf32>,
        %swap3A_215 = vector.shape_cast %swap3A_214 : vector<1x1x16xf32> to vector<16xf32>
        %swap3A_216 = vector.shape_cast %add3A_209 : vector<16xf32> to vector<1x1x16xf32>
        tpu.vector_store %arg9[%swap3A_211, %swap3A_212, %swap3A_213], %swap3A_216 {strides = array<i32>} : memref<2x64x128xf32, #tpu.memory_space<vmem>>, vector<1x1x16xf32>,
        %get3A_217 = arith.constant 1 : i32
        %get3A_218 = arith.index_cast %get3A_217 : i32 to index
        %get3A_219 = arith.index_cast %scan3A_154 : i32 to index
        %get3A_220 = arith.constant 48 : index
        %get3A_221 = tpu.vector_load %arg8[%get3A_218, %get3A_219, %get3A_220] {strides = array<i32>} : memref<2x64x128xf32, #tpu.memory_space<vmem>>, vector<1x1x16xf32>,
        %get3A_222 = vector.shape_cast %get3A_221 : vector<1x1x16xf32> to vector<16xf32>
        %mul3A_223 = arith.constant 11.3137083 : f32
        %mul3A_224 = vector.broadcast %mul3A_223 : f32 to vector<16xf32>
        %mul3A_225 = arith.mulf %get3A_222, %mul3A_224 : vector<16xf32>
        %get3A_226 = arith.index_cast %add3A_155 : i32 to index
        %get3A_227 = arith.constant 48 : index
        %get3A_228 = tpu.vector_load %arg6[%get3A_226, %get3A_227] {strides = array<i32>} : memref<512x128xf32, #tpu.memory_space<vmem>>, vector<1x16xf32>,
        %get3A_229 = vector.shape_cast %get3A_228 : vector<1x16xf32> to vector<16xf32>
        %add3A_230 = arith.addf %mul3A_225, %get3A_229 : vector<16xf32>
        %swap3A_231 = arith.constant 1 : i32
        %swap3A_232 = arith.index_cast %swap3A_231 : i32 to index
        %swap3A_233 = arith.index_cast %scan3A_154 : i32 to index
        %swap3A_234 = arith.constant 48 : index
        %swap3A_235 = tpu.vector_load %arg9[%swap3A_232, %swap3A_233, %swap3A_234] {strides = array<i32>} : memref<2x64x128xf32, #tpu.memory_space<vmem>>, vector<1x1x16xf32>,
        %swap3A_236 = vector.shape_cast %swap3A_235 : vector<1x1x16xf32> to vector<16xf32>
        %swap3A_237 = vector.shape_cast %add3A_230 : vector<16xf32> to vector<1x1x16xf32>
        tpu.vector_store %arg9[%swap3A_232, %swap3A_233, %swap3A_234], %swap3A_237 {strides = array<i32>} : memref<2x64x128xf32, #tpu.memory_space<vmem>>, vector<1x1x16xf32>,
        %get3A_238 = arith.constant 1 : i32
        %get3A_239 = arith.index_cast %get3A_238 : i32 to index
        %get3A_240 = arith.index_cast %scan3A_154 : i32 to index
        %get3A_241 = arith.constant 64 : index
        %get3A_242 = tpu.vector_load %arg8[%get3A_239, %get3A_240, %get3A_241] {strides = array<i32>} : memref<2x64x128xf32, #tpu.memory_space<vmem>>, vector<1x1x16xf32>,
        %get3A_243 = vector.shape_cast %get3A_242 : vector<1x1x16xf32> to vector<16xf32>
        %mul3A_244 = arith.constant 11.3137083 : f32
        %mul3A_245 = vector.broadcast %mul3A_244 : f32 to vector<16xf32>
        %mul3A_246 = arith.mulf %get3A_243, %mul3A_245 : vector<16xf32>
        %get3A_247 = arith.index_cast %add3A_155 : i32 to index
        %get3A_248 = arith.constant 64 : index
        %get3A_249 = tpu.vector_load %arg6[%get3A_247, %get3A_248] {strides = array<i32>} : memref<512x128xf32, #tpu.memory_space<vmem>>, vector<1x16xf32>,
        %get3A_250 = vector.shape_cast %get3A_249 : vector<1x16xf32> to vector<16xf32>
        %add3A_251 = arith.addf %mul3A_246, %get3A_250 : vector<16xf32>
        %swap3A_252 = arith.constant 1 : i32
        %swap3A_253 = arith.index_cast %swap3A_252 : i32 to index
        %swap3A_254 = arith.index_cast %scan3A_154 : i32 to index
        %swap3A_255 = arith.constant 64 : index
        %swap3A_256 = tpu.vector_load %arg9[%swap3A_253, %swap3A_254, %swap3A_255] {strides = array<i32>} : memref<2x64x128xf32, #tpu.memory_space<vmem>>, vector<1x1x16xf32>,
        %swap3A_257 = vector.shape_cast %swap3A_256 : vector<1x1x16xf32> to vector<16xf32>
        %swap3A_258 = vector.shape_cast %add3A_251 : vector<16xf32> to vector<1x1x16xf32>
        tpu.vector_store %arg9[%swap3A_253, %swap3A_254, %swap3A_255], %swap3A_258 {strides = array<i32>} : memref<2x64x128xf32, #tpu.memory_space<vmem>>, vector<1x1x16xf32>,
        %get3A_259 = arith.constant 1 : i32
        %get3A_260 = arith.index_cast %get3A_259 : i32 to index
        %get3A_261 = arith.index_cast %scan3A_154 : i32 to index
        %get3A_262 = arith.constant 80 : index
        %get3A_263 = tpu.vector_load %arg8[%get3A_260, %get3A_261, %get3A_262] {strides = array<i32>} : memref<2x64x128xf32, #tpu.memory_space<vmem>>, vector<1x1x16xf32>,
        %get3A_264 = vector.shape_cast %get3A_263 : vector<1x1x16xf32> to vector<16xf32>
        %mul3A_265 = arith.constant 11.3137083 : f32
        %mul3A_266 = vector.broadcast %mul3A_265 : f32 to vector<16xf32>
        %mul3A_267 = arith.mulf %get3A_264, %mul3A_266 : vector<16xf32>
        %get3A_268 = arith.index_cast %add3A_155 : i32 to index
        %get3A_269 = arith.constant 80 : index
        %get3A_270 = tpu.vector_load %arg6[%get3A_268, %get3A_269] {strides = array<i32>} : memref<512x128xf32, #tpu.memory_space<vmem>>, vector<1x16xf32>,
        %get3A_271 = vector.shape_cast %get3A_270 : vector<1x16xf32> to vector<16xf32>
        %add3A_272 = arith.addf %mul3A_267, %get3A_271 : vector<16xf32>
        %swap3A_273 = arith.constant 1 : i32
        %swap3A_274 = arith.index_cast %swap3A_273 : i32 to index
        %swap3A_275 = arith.index_cast %scan3A_154 : i32 to index
        %swap3A_276 = arith.constant 80 : index
        %swap3A_277 = tpu.vector_load %arg9[%swap3A_274, %swap3A_275, %swap3A_276] {strides = array<i32>} : memref<2x64x128xf32, #tpu.memory_space<vmem>>, vector<1x1x16xf32>,
        %swap3A_278 = vector.shape_cast %swap3A_277 : vector<1x1x16xf32> to vector<16xf32>
        %swap3A_279 = vector.shape_cast %add3A_272 : vector<16xf32> to vector<1x1x16xf32>
        tpu.vector_store %arg9[%swap3A_274, %swap3A_275, %swap3A_276], %swap3A_279 {strides = array<i32>} : memref<2x64x128xf32, #tpu.memory_space<vmem>>, vector<1x1x16xf32>,
        %get3A_280 = arith.constant 1 : i32
        %get3A_281 = arith.index_cast %get3A_280 : i32 to index
        %get3A_282 = arith.index_cast %scan3A_154 : i32 to index
        %get3A_283 = arith.constant 96 : index
        %get3A_284 = tpu.vector_load %arg8[%get3A_281, %get3A_282, %get3A_283] {strides = array<i32>} : memref<2x64x128xf32, #tpu.memory_space<vmem>>, vector<1x1x16xf32>,
        %get3A_285 = vector.shape_cast %get3A_284 : vector<1x1x16xf32> to vector<16xf32>
        %mul3A_286 = arith.constant 11.3137083 : f32
        %mul3A_287 = vector.broadcast %mul3A_286 : f32 to vector<16xf32>
        %mul3A_288 = arith.mulf %get3A_285, %mul3A_287 : vector<16xf32>
        %get3A_289 = arith.index_cast %add3A_155 : i32 to index
        %get3A_290 = arith.constant 96 : index
        %get3A_291 = tpu.vector_load %arg6[%get3A_289, %get3A_290] {strides = array<i32>} : memref<512x128xf32, #tpu.memory_space<vmem>>, vector<1x16xf32>,
        %get3A_292 = vector.shape_cast %get3A_291 : vector<1x16xf32> to vector<16xf32>
        %add3A_293 = arith.addf %mul3A_288, %get3A_292 : vector<16xf32>
        %swap3A_294 = arith.constant 1 : i32
        %swap3A_295 = arith.index_cast %swap3A_294 : i32 to index
        %swap3A_296 = arith.index_cast %scan3A_154 : i32 to index
        %swap3A_297 = arith.constant 96 : index
        %swap3A_298 = tpu.vector_load %arg9[%swap3A_295, %swap3A_296, %swap3A_297] {strides = array<i32>} : memref<2x64x128xf32, #tpu.memory_space<vmem>>, vector<1x1x16xf32>,
        %swap3A_299 = vector.shape_cast %swap3A_298 : vector<1x1x16xf32> to vector<16xf32>
        %swap3A_300 = vector.shape_cast %add3A_293 : vector<16xf32> to vector<1x1x16xf32>
        tpu.vector_store %arg9[%swap3A_295, %swap3A_296, %swap3A_297], %swap3A_300 {strides = array<i32>} : memref<2x64x128xf32, #tpu.memory_space<vmem>>, vector<1x1x16xf32>,
        %get3A_301 = arith.constant 1 : i32
        %get3A_302 = arith.index_cast %get3A_301 : i32 to index
        %get3A_303 = arith.index_cast %scan3A_154 : i32 to index
        %get3A_304 = arith.constant 112 : index
        %get3A_305 = tpu.vector_load %arg8[%get3A_302, %get3A_303, %get3A_304] {strides = array<i32>} : memref<2x64x128xf32, #tpu.memory_space<vmem>>, vector<1x1x16xf32>,
        %get3A_306 = vector.shape_cast %get3A_305 : vector<1x1x16xf32> to vector<16xf32>
        %mul3A_307 = arith.constant 11.3137083 : f32
        %mul3A_308 = vector.broadcast %mul3A_307 : f32 to vector<16xf32>
        %mul3A_309 = arith.mulf %get3A_306, %mul3A_308 : vector<16xf32>
        %get3A_310 = arith.index_cast %add3A_155 : i32 to index
        %get3A_311 = arith.constant 112 : index
        %get3A_312 = tpu.vector_load %arg6[%get3A_310, %get3A_311] {strides = array<i32>} : memref<512x128xf32, #tpu.memory_space<vmem>>, vector<1x16xf32>,
        %get3A_313 = vector.shape_cast %get3A_312 : vector<1x16xf32> to vector<16xf32>
        %add3A_314 = arith.addf %mul3A_309, %get3A_313 : vector<16xf32>
        %swap3A_315 = arith.constant 1 : i32
        %swap3A_316 = arith.index_cast %swap3A_315 : i32 to index
        %swap3A_317 = arith.index_cast %scan3A_154 : i32 to index
        %swap3A_318 = arith.constant 112 : index
        %swap3A_319 = tpu.vector_load %arg9[%swap3A_316, %swap3A_317, %swap3A_318] {strides = array<i32>} : memref<2x64x128xf32, #tpu.memory_space<vmem>>, vector<1x1x16xf32>,
        %swap3A_320 = vector.shape_cast %swap3A_319 : vector<1x1x16xf32> to vector<16xf32>
        %swap3A_321 = vector.shape_cast %add3A_314 : vector<16xf32> to vector<1x1x16xf32>
        tpu.vector_store %arg9[%swap3A_316, %swap3A_317, %swap3A_318], %swap3A_321 {strides = array<i32>} : memref<2x64x128xf32, #tpu.memory_space<vmem>>, vector<1x1x16xf32>,
      }
      %scan3A_130 = arith.constant 64 : i32
      %mul3A_131 = arith.constant 64 : i32
      %mul3A_132 = arith.muli %add3A_105, %mul3A_131 : i32
      %add3A_133 = arith.addi %mul3A_2, %mul3A_132 : i32
      %dma_start3A_134 = arith.constant 1 : i32
      %dma_start3A_135 = arith.constant 0 : i32
      %dma_start3A_136 = arith.constant 0 : i32
      %dma_start3A_137 = tpu.memref_slice %arg9[%dma_start3A_134, %dma_start3A_135, %dma_start3A_136] : memref<2x64x128xf32, #tpu.memory_space<vmem>> -> memref<1x64x128xf32, #tpu.memory_space<vmem>>
      %dma_start3A_138 = tpu.memref_squeeze %dma_start3A_137 : memref<1x64x128xf32, #tpu.memory_space<vmem>> -> memref<64x128xf32, #tpu.memory_space<vmem>>
      %dma_start3A_139 = arith.constant 0 : i32
      %dma_start3A_140 = tpu.memref_slice %arg5[%add3A_133, %dma_start3A_139] : memref<524288x128xf32, #tpu.memory_space<hbm>> -> memref<64x128xf32, #tpu.memory_space<hbm>>
      %dma_start3A_141 = arith.constant 0 : i32
      %dma_start3A_142 = tpu.memref_slice %arg5[%add3A_133, %dma_start3A_141] : memref<524288x128xf32, #tpu.memory_space<hbm>> -> memref<64x128xf32, #tpu.memory_space<hbm>>
      %dma_start3A_143 = arith.constant 0 : i32
      %dma_start3A_144 = arith.constant 0 : i32
      %dma_start3A_145 = tpu.memref_slice %arg9[%dma_start3A_134, %dma_start3A_143, %dma_start3A_144] : memref<2x64x128xf32, #tpu.memory_space<vmem>> -> memref<1x64x128xf32, #tpu.memory_space<vmem>>
      %dma_start3A_146 = tpu.memref_squeeze %dma_start3A_145 : memref<1x64x128xf32, #tpu.memory_space<vmem>> -> memref<64x128xf32, #tpu.memory_space<vmem>>
      tpu.enqueue_dma source(%dma_start3A_146 : memref<64x128xf32, #tpu.memory_space<vmem>>) target(%dma_start3A_142 : memref<64x128xf32, #tpu.memory_space<hbm>>) target_semaphore(%arg13 : memref<!tpu.dma_semaphore, #tpu.memory_space<semaphore_mem>>)
      %add3A_147 = arith.constant 2 : i32
      %add3A_148 = arith.addi %add3A_105, %add3A_147 : i32
      %lt3A_149 = arith.constant 256 : i32
      %lt3A_150 = arith.cmpi slt, %add3A_148, %lt3A_149 : i32
      %convert_element_type3A_151 = arith.extui %lt3A_150 : i1 to i32
      %cond3A_152 = arith.constant 0 : i32
      %cond3A_153 = arith.cmpi ne, %convert_element_type3A_151, %cond3A_152 : i32
      scf.if %cond3A_153 {
        %add3A_154 = arith.constant 2 : i32
        %add3A_155 = arith.addi %add3A_105, %add3A_154 : i32
        %mul3A_156 = arith.constant 64 : i32
        %mul3A_157 = arith.muli %add3A_155, %mul3A_156 : i32
        %dma_start3A_158 = arith.constant 1 : i32
        %dma_start3A_159 = arith.constant 0 : i32
        %dma_start3A_160 = arith.constant 0 : i32
        %dma_start3A_161 = tpu.memref_slice %arg8[%dma_start3A_158, %dma_start3A_159, %dma_start3A_160] : memref<2x64x128xf32, #tpu.memory_space<vmem>> -> memref<1x64x128xf32, #tpu.memory_space<vmem>>
        %dma_start3A_162 = tpu.memref_squeeze %dma_start3A_161 : memref<1x64x128xf32, #tpu.memory_space<vmem>> -> memref<64x128xf32, #tpu.memory_space<vmem>>
        %dma_start3A_163 = tpu.memref_slice %arg7[%mul3A_157] : memref<16384xi32, #tpu.memory_space<vmem>> -> memref<64xi32, #tpu.memory_space<vmem>>
        %dma_start3A_164 = arith.constant 0 : i32
        %dma_start3A_165 = arith.constant 0 : i32
        %dma_start3A_166 = tpu.memref_slice %arg3[%dma_start3A_164, %dma_start3A_165] : memref<100000x128xf32, #tpu.memory_space<hbm>> -> memref<100000x128xf32, #tpu.memory_space<hbm>>
        tpu.enqueue_indirect_dma source(%dma_start3A_166 : memref<100000x128xf32, #tpu.memory_space<hbm>>) target(%dma_start3A_162 : memref<64x128xf32, #tpu.memory_space<vmem>>) offsets(%dma_start3A_163 : memref<64xi32, #tpu.memory_space<vmem>>) semaphore(%arg11 : memref<!tpu.dma_semaphore, #tpu.memory_space<semaphore_mem>>)
      } else {
      }
    }
    %scan3A_26 = arith.constant 128 : i32
    %dma_wait3A = arith.constant 0 : i32
    %dma_wait3A_27 = arith.constant 0 : i32
    %dma_wait3A_28 = arith.constant 0 : i32
    %dma_wait3A_29 = tpu.memref_slice %arg9[%dma_wait3A, %dma_wait3A_27, %dma_wait3A_28] : memref<2x64x128xf32, #tpu.memory_space<vmem>> -> memref<1x64x128xf32, #tpu.memory_space<vmem>>
    %dma_wait3A_30 = tpu.memref_squeeze %dma_wait3A_29 : memref<1x64x128xf32, #tpu.memory_space<vmem>> -> memref<64x128xf32, #tpu.memory_space<vmem>>
    %dma_wait3A_31 = arith.constant 0 : i32
    %dma_wait3A_32 = arith.constant 0 : i32
    %dma_wait3A_33 = tpu.memref_slice %arg5[%dma_wait3A_31, %dma_wait3A_32] : memref<524288x128xf32, #tpu.memory_space<hbm>> -> memref<64x128xf32, #tpu.memory_space<hbm>>
    %dma_wait3A_34 = arith.constant 0 : i32
    %dma_wait3A_35 = arith.constant 0 : i32
    %dma_wait3A_36 = tpu.memref_slice %arg5[%dma_wait3A_34, %dma_wait3A_35] : memref<524288x128xf32, #tpu.memory_space<hbm>> -> memref<64x128xf32, #tpu.memory_space<hbm>>
    %dma_wait3A_37 = arith.constant 0 : i32
    %dma_wait3A_38 = arith.constant 0 : i32
    %dma_wait3A_39 = tpu.memref_slice %arg9[%dma_wait3A, %dma_wait3A_37, %dma_wait3A_38] : memref<2x64x128xf32, #tpu.memory_space<vmem>> -> memref<1x64x128xf32, #tpu.memory_space<vmem>>
    %dma_wait3A_40 = tpu.memref_squeeze %dma_wait3A_39 : memref<1x64x128xf32, #tpu.memory_space<vmem>> -> memref<64x128xf32, #tpu.memory_space<vmem>>
    tpu.wait_dma2 semaphore(%arg12 : memref<!tpu.dma_semaphore, #tpu.memory_space<semaphore_mem>>) src(%dma_wait3A_40 : memref<64x128xf32, #tpu.memory_space<vmem>>) dst(%dma_wait3A_36 : memref<64x128xf32, #tpu.memory_space<hbm>>)
    %dma_wait3A_41 = arith.constant 1 : i32
    %dma_wait3A_42 = arith.constant 0 : i32
    %dma_wait3A_43 = arith.constant 0 : i32
    %dma_wait3A_44 = tpu.memref_slice %arg9[%dma_wait3A_41, %dma_wait3A_42, %dma_wait3A_43] : memref<2x64x128xf32, #tpu.memory_space<vmem>> -> memref<1x64x128xf32, #tpu.memory_space<vmem>>
    %dma_wait3A_45 = tpu.memref_squeeze %dma_wait3A_44 : memref<1x64x128xf32, #tpu.memory_space<vmem>> -> memref<64x128xf32, #tpu.memory_space<vmem>>
    %dma_wait3A_46 = arith.constant 0 : i32
    %dma_wait3A_47 = arith.constant 0 : i32
    %dma_wait3A_48 = tpu.memref_slice %arg5[%dma_wait3A_46, %dma_wait3A_47] : memref<524288x128xf32, #tpu.memory_space<hbm>> -> memref<64x128xf32, #tpu.memory_space<hbm>>
    %dma_wait3A_49 = arith.constant 0 : i32
    %dma_wait3A_50 = arith.constant 0 : i32
    %dma_wait3A_51 = tpu.memref_slice %arg5[%dma_wait3A_49, %dma_wait3A_50] : memref<524288x128xf32, #tpu.memory_space<hbm>> -> memref<64x128xf32, #tpu.memory_space<hbm>>
    %dma_wait3A_52 = arith.constant 0 : i32
    %dma_wait3A_53 = arith.constant 0 : i32
    %dma_wait3A_54 = tpu.memref_slice %arg9[%dma_wait3A_41, %dma_wait3A_52, %dma_wait3A_53] : memref<2x64x128xf32, #tpu.memory_space<vmem>> -> memref<1x64x128xf32, #tpu.memory_space<vmem>>
    %dma_wait3A_55 = tpu.memref_squeeze %dma_wait3A_54 : memref<1x64x128xf32, #tpu.memory_space<vmem>> -> memref<64x128xf32, #tpu.memory_space<vmem>>
    tpu.wait_dma2 semaphore(%arg13 : memref<!tpu.dma_semaphore, #tpu.memory_space<semaphore_mem>>) src(%dma_wait3A_55 : memref<64x128xf32, #tpu.memory_space<vmem>>) dst(%dma_wait3A_51 : memref<64x128xf32, #tpu.memory_space<hbm>>)
    return
  }
}

</mosaic_0001>

<sc_bundles>
// kernel: kernel.3.cloned.1.call-start
scs
__scs_entry_jumppad:
0x0: {  	(pc) =	sbr.rel $0x88, $3  }
0x1: {  	(tag) =	ssettag $0x0;
	lr =	simm.s32 $0x1  }
0x2: {  	[smem:$0x3F9E] =	sst lr;
	_ =	strace $0xD0000000  }
0x3: {  	_ = 	snop  }
0x4: {  	_ = 	snop  }
0x5: {  	_ = 	snop  }
0x6: {  	_ = 	snop  }
0x7: {  	_ = 	snop  }
__scs_overlays_trampoline_lowered:
0x8: {  	[smem:$0x3FAD] =	sst s0  }
0x9: {  	[smem:$0x3FAE] =	sst s1  }
0xa: {  	[smem:$0x3FAF] =	sst s2  }
0xb: {  	[smem:$0x3FB0] =	sst s3  }
0xc: {  	[smem:$0x3FB1] =	sst s4  }
0xd: {  	[smem:$0x3FB2] =	sst s5  }
0xe: {  	[smem:$0x3FB3] =	sst s6  }
0xf: {  	[smem:$0x3FB4] =	sst s7  }
0x10: {  	[smem:$0x3FB5] =	sst s8  }
0x11: {  	[smem:$0x3FB6] =	sst s9;
	s0 =	simm.s32 @!p0 $0x0  }
0x12: {  	s1 =	sld [smem:$0x3F9C];
	s0 =	simm.s32 @p0 $0x1  }
0x13: {  	[smem:$0x3FB7] =	sst s0;
	s0 =	simm.s32 @!p1 $0x0  }
0x14: {  	s2 =	sld [smem:$0x3F9B];
	s0 =	simm.s32 @p1 $0x1  }
0x15: {  	[smem:$0x3FB8] =	sst s0;
	s0 =	simm.s32 @!p2 $0x0  }
0x16: {  	s3 =	sld [smem:$0x3FDB];
	s0 =	simm.s32 @p2 $0x1  }
0x17: {  	s4 =	simm.s32 $0x1BF5;
	[smem:$0x3FBA] =	sst s0  }
0x18: {  	s0 =	sld [smem:$0x3F9D];
	_ =	swait.ge [sflag:s4], $0x0  }
0x19: {  	s7 =	sld [smem:$0x3F9E]  }
0x1a: {  	s8 =	sadd.s32 $0xFFFFE003, lr  }
0x1b: {  	s9 =	sadd.s32 $0xFFFFFEF7, lr;
	s5 =	simm.s32 $0xFFFFFFFF;
	p2 =	slt.u32 s8, $0xFFFFF086  }
0x1c: {  	p1 =	slt.u32 s9, $0xF7A;
	s5 =	simm.s32 @!p2 $0x0  }
0x1d: {  	s5 =	simm.s32 @p1 $0x1;
	p0 =	seq.s32 s7, s2  }
0x1e: {  	s7 =	smul.u32 @!p0 $0xF7A, s2;
	p2 =	seq.s32 @!p0 s5, $0x0  }
0x1f: {  	s9 =	smul.u32 $0xF7A, s1;
	s8 =	simm.s32 @!p0 $0x1BF5;
	p2 =	por !p2, p0  }
0x20: {  	[sflag:s8] =	ssyncset.s32 @!p0 $0xFFFFF086;
	s6 =	sadd.s32 @!p0 s3, s7;
	s7 =	simm.s32 @!p0 $0x108  }
0x21: {  	s3 =	sadd.s32 s3, s9;
	s6 =	sadd.s32 @!p0 $0x88, s6;
	s7 =	simm.s32 @p2 $0x1082  }
0x22: {  	[simem:s7], [sflag:s8] =	dma.local @!p0 [hbm:s6], $0xF7A  }
0x23: {  	s9 =	sor.u32 $0xD0000000, s2;
	s6 =	simm.s32 $0x108;
	_ =	swait.ge @!p0 [sflag:s8], $0x0  }
0x24: {  	s3 =	sadd.s32 $0x88, s3;
	s6 =	simm.s32 @!p1 $0x1082;
	[sflag:s4] =	ssyncset.s32 $0xFFFFF086  }
0x25: {  	[simem:s6], [sflag:s4] =	dma.local [hbm:s3], $0xF7A  }
0x26: {  	[smem:$0x3F9E] =	sst s1;
	(tag) =	ssettag s2;
	_ =	strace s9  }
0x27: {  	s1 =	sld [smem:$0x3FAE]  }
0x28: {  	s2 =	sld [smem:$0x3FAF]  }
0x29: {  	s4 =	sld [smem:$0x3FB1]  }
0x2a: {  	p0 =	seq.s32 s5, $0x0;
	s5 =	sld [smem:$0x3FB2]  }
0x2b: {  	s6 =	sld [smem:$0x3FB3]  }
0x2c: {  	s7 =	sld [smem:$0x3FB4]  }
0x2d: {  	s3 =	simm.s32 $0x108;
	s8 =	sld [smem:$0x3FB5]  }
0x2e: {  	s3 =	simm.s32 @!p0 $0x1082;
	s9 =	sld [smem:$0x3FB6]  }
0x2f: {  	lr =	sadd.s32 s0, s3;
	s0 =	sld [smem:$0x3FAD]  }
0x30: {  	s3 =	sld [smem:$0x3FB0]  }
0x31: {  	[smem:$0x3FB9] =	sst s10  }
0x32: {  	s10 =	sld [smem:$0x3FB7];
	_ =	sdelay $0x3  }
0x33: {  	p0 =	seq.s32 s10, $0x1;
	s10 =	sld [smem:$0x3FB9];
	_ =	sdelay $0x3  }
0x34: {  	[smem:$0x3FB9] =	sst s10  }
0x35: {  	s10 =	sld [smem:$0x3FB8];
	_ =	sdelay $0x3  }
0x36: {  	p1 =	seq.s32 s10, $0x1;
	s10 =	sld [smem:$0x3FB9];
	_ =	sdelay $0x3  }
0x37: {  	[smem:$0x3FB9] =	sst s10  }
0x38: {  	s10 =	sld [smem:$0x3FBA]  }
0x39: {  	_ = 	snop;
	(pc) =	sbr.ind lr, $3  }
0x3a: {  	_ = 	snop  }
0x3b: {  	_ = 	snop  }
0x3c: {  	p2 =	seq.s32 s10, $0x1;
	s10 =	sld [smem:$0x3FB9]  }
0x3d: {  	_ =	shalt  }
0x3e: {  	_ =	shalt  }
0x3f: {  	_ =	shalt  }
0x40: {  	_ =	shalt  }
0x41: {  	_ =	shalt  }
0x42: {  	_ =	shalt  }
0x43: {  	_ =	shalt  }
0x44: {  	_ =	shalt  }
0x45: {  	_ =	shalt  }
0x46: {  	_ =	shalt  }
0x47: {  	_ =	shalt  }
0x48: {  	_ =	shalt  }
0x49: {  	_ =	shalt  }
0x4a: {  	_ =	shalt  }
0x4b: {  	_ =	shalt  }
0x4c: {  	_ =	shalt  }
0x4d: {  	_ =	shalt  }
0x4e: {  	_ =	shalt  }
0x4f: {  	_ =	shalt  }
0x50: {  	_ =	shalt  }
0x51: {  	_ =	shalt  }
0x52: {  	_ =	shalt  }
0x53: {  	_ =	shalt  }
0x54: {  	_ =	shalt  }
0x55: {  	_ =	shalt  }
0x56: {  	_ =	shalt  }
0x57: {  	_ =	shalt  }
0x58: {  	_ =	shalt  }
0x59: {  	_ =	shalt  }
0x5a: {  	_ =	shalt  }
0x5b: {  	_ =	shalt  }
0x5c: {  	_ =	shalt  }
0x5d: {  	_ =	shalt  }
0x5e: {  	_ =	shalt  }
0x5f: {  	_ =	shalt  }
0x60: {  	_ =	shalt  }
0x61: {  	_ =	shalt  }
0x62: {  	_ =	shalt  }
0x63: {  	_ =	shalt  }
0x64: {  	_ =	shalt  }
0x65: {  	_ =	shalt  }
0x66: {  	_ =	shalt  }
0x67: {  	_ =	shalt  }
0x68: {  	_ =	shalt  }
0x69: {  	_ =	shalt  }
0x6a: {  	_ =	shalt  }
0x6b: {  	_ =	shalt  }
0x6c: {  	_ =	shalt  }
0x6d: {  	_ =	shalt  }
0x6e: {  	_ =	shalt  }
0x6f: {  	_ =	shalt  }
0x70: {  	_ =	shalt  }
0x71: {  	_ =	shalt  }
0x72: {  	_ =	shalt  }
0x73: {  	_ =	shalt  }
0x74: {  	_ =	shalt  }
0x75: {  	_ =	shalt  }
0x76: {  	_ =	shalt  }
0x77: {  	_ =	shalt  }
0x78: {  	_ =	shalt  }
0x79: {  	_ =	shalt  }
0x7a: {  	_ =	shalt  }
0x7b: {  	_ =	shalt  }
0x7c: {  	_ =	shalt  }
0x7d: {  	_ =	shalt  }
0x7e: {  	_ =	shalt  }
0x7f: {  	_ =	shalt  }
0x80: {  	_ =	shalt  }
0x81: {  	_ =	shalt  }
0x82: {  	_ =	shalt  }
0x83: {  	_ =	shalt  }
0x84: {  	_ =	shalt  }
0x85: {  	_ =	shalt  }
0x86: {  	_ =	shalt  }
0x87: {  	_ =	shalt  }
.Lfunc_end0:
.L_simem_size_0:
called_computation_lowered:
.L_overlay_start_0:
0x88: {  	s2 =	sld [smem:$0x3FD9]  }
0x89: {  	s3 =	sld [smem:$0x3FFE];
	_ =	sdelay $0x1  }
0x8a: {  	s1 =	srdreg.scid  }
0x8b: {  	s0 =	sand.u32 $0x1, s1  }
0x8c: {  	s17 =	sshll.u32 s0, $0xA;
	s2 =	sadd.s32 s3, s2  }
0x8d: {  	s2 =	sadd.s32 s2, s17  }
0x8e: {  	[smem:$0x3FC5] =	sst s2  }
0x8f: {  	_ = 	snop  }
0x90: {  	s2 =	sld [smem:$0x3FC8]  }
0x91: {  	s18 =	sld [smem:$0x3FC7]  }
0x92: {  	s4 =	sld [smem:$0x3FD0];
	(tm) =	ssettm $0x1  }
0x93: {  	s5 =	sld [smem:$0x3FFB];
	_ =	sdelay $0x3  }
0x94: {  	_ =	strace s5  }
0x95: {  	s5 =	sld [smem:$0x3FFC];
	_ =	sdelay $0x3  }
0x96: {  	_ =	strace s5  }
0x97: {  	s5 =	sld [smem:$0x3FFD];
	_ =	sdelay $0x3  }
0x98: {  	_ =	strace s5  }
0x99: {  	_ =	strace $0x8FFFFFFF  }
0x9a: {  	s19 =	sld [smem:$0x3FDB];
	_ =	sdelay $0x1  }
0x9b: {  	s6 =	simm.s32 $_scs_section_size  }
0x9c: {  	s7 =	simm.s32 $_size__tile_overlayer_lowered;
	s8 =	simm.s32 $_tile_overlayer_lowered  }
0x9d: {  	s22 =	simm.s32 $0x1BFF;
	s21 =	sshll.u32 s8, $0x1;
	s5 =	sadd.s32 s6, s19  }
0x9e: {  	s9 =	simm.s32 $0x0;
	s20 =	sshll.u32 s7, $0x1;
	s7 =	sadd.s32 s21, s5  }
0x9f: {  	[timem:s9], [sflag:s22] =	dma.local [hbm:s7], s20  }
0xa0: {  	_ =	swait.ge [sflag:s22], s20  }
0xa1: {  	s6 =	ssub.s32 $0x0, s20;
	[sflag:s22] =	ssyncset.done $0x0  }
0xa2: {  	[sflag:s22] =	ssyncadd.s32 s6;
	_ =	sdelay $0x1  }
0xa3: {  	s23 =	simm.s32 $0x1B8B  }
0xa4: {  	_ =	swait.ge [sflag:s23], $0x1  }
0xa5: {  	[sflag:s23] =	ssyncset.done $0x0  }
0xa6: {  	s25 =	simm.s32 $0x1B8E;
	s24 =	sld [smem:$0x3FFE];
	[sflag:s23] =	ssyncadd.s32 $0xFFFFFFFF  }
0xa7: {  	s26 =	simm.s32 $execute0_lowered;
	[smem:$0x3FD2] =	sst s25  }
0xa8: {  	s7 =	sshll.u32 s26, $0x1;
	_ =	strace $0x80000046;
	[dreg:$0x1] =	wrdreg $0xFFFFFFFF  }
0xa9: {  	s28 =	simm.s32 $_size_execute0_lowered;
	s5 =	sadd.s32 s5, s7;
	[dreg:$0x0] =	wrdreg $0x0  }
0xaa: {  	s7 =	sshll.u32 s28, $0x1;
	[dreg:$0x2] =	wrdreg s5  }
0xab: {  	[dreg:$0x3] =	wrdreg s7  }
0xac: {  	[dreg:$0x4] =	wrdreg $0xC0  }
0xad: {  	_ =	task [dreg:s9], $0x5FFFF  }
0xae: {  	[dreg:$0x1] =	wrdreg $0xFFFFFFFF  }
0xaf: {  	[dreg:$0x0] =	wrdreg $0x60  }
0xb0: {  	[dreg:$0x2] =	wrdreg s24  }
0xb1: {  	[dreg:$0x3] =	wrdreg s2  }
0xb2: {  	[dreg:$0x4] =	wrdreg s18  }
0xb3: {  	[dreg:$0x5] =	wrdreg s4  }
0xb4: {  	[dreg:$0x6] =	wrdreg $0x9  }
0xb5: {  	_ =	task.clear_ibuf [dreg:s9], $0x7FFFF;
	_ =	strace $0x90000046  }
0xb6: {  	s29 =	simm.s32 $0x9;
	_ =	strace $0x80000048  }
0xb7: {  	_ =	swait.ge [sflag:s29], $0x1  }
0xb8: {  	[sflag:s29] =	ssyncadd.s32 $0xFFFFFFFF  }
0xb9: {  	_ =	strace $0x90000048  }
0xba: {  	_ =	sfence  }
0xbb: {  	s30 =	sld [smem:$0x0];
	_ =	sdelay $0x2  }
0xbc: {  	s31 =	sshll.u32 s1, $0xD;
	s1 =	sshrl.u32 s1, $0x2  }
0xbd: {  	s3 =	sand.u32 $0x4000, s31;
	s1 =	sadd.s32 s1, s30  }
0xbe: {  	s0 =	sor.u32 s3, s0;
	s1 =	sshll.u32 s1, $0x11  }
0xbf: {  	s0 =	sor.u32 s1, s0  }
0xc0: {  	s0 =	sadd.s32 $0x8F2B, s0  }
0xc1: {  	[sflag:s0] =	ssyncadd.remote.s32 $0x1  }
0xc2: {  	_ =	sfence.sel $0xFFFF  }
0xc3: {  	[dreg:$0x0] =	wrdreg $0xFFFFFFFF;
	(pc) =	sbr.abs _section_cstart, $3  }
0xc4: {  	[dreg:$0x1] =	wrdreg $0xFFFFFFFF  }
0xc5: {  	_ =	task.clear_ibuf [dreg:s9], $0x2FFFF;
	_ =	strace $0x9FFFFFFF  }
0xc6: {  	(tm) =	ssettm $0x7FFFFFFF  }
0xc7: {  	_ =	shalt  }
tec
execute0_lowered:
.L_overlay_start_1:
0x0: {  	(tag) =	ssettag $0x1  }
0x1: {  	s5 =	rddreg [dreg:$0x0]  }
0x2: {  	s1 =	rddreg [dreg:$0x1]  }
0x3: {  	s2 =	srdreg.scid;
	s3 =	rddreg [dreg:$0x2]  }
0x4: {  	s0 =	stileid.u32;
	s7 =	rddreg [dreg:$0x3];
	s4 =	simm.s32 $0x0  }
0x5: {  	s10 =	simm.s32 $0x40;
	s11 =	simm.s32 $0x14000;
	s12 =	simm.s32 $0x10040  }
0x6: {  	s13 =	simm.s32 $0x16000;
	s14 =	simm.s32 $0x1;
	s15 =	simm.s32 $0x18000  }
0x7: {  	s16 =	simm.s32 $0x2;
	s17 =	simm.s32 $0x1A000;
	s18 =	simm.s32 $0x3  }
0x8: {  	s19 =	simm.s32 $0x4;
	s6 =	sand.u32 $0x1, s2;
	s2 =	rddreg [dreg:$0x4]  }
0x9: {  	s20 =	simm.s32 $0x0;
	s8 =	sshll.u32 s0, $0xF;
	[smem:$0x7FF] =	sst s4  }
.Ltmp0:
0xa: {  	s9 =	sshll.u32 s6, $0xE;
	s6 =	ssub.s32 $0x2, s6;
	(pc) =	sbr.rel .LBB2_1-.Ltmp0, $4  }
0xb: {  	_ =	strace $0x80000047;
	s8 =	sor.u32 s9, s8;
	s30 =	sshrl.u32 s6, $0x1  }
0xc: {  	s9 =	sshrl.u32 s8, $0x3;
	s31 =	sshll.u32 s8, $0x4;
	s8 =	simm.s32 $0x5  }
0xd: {  	s5 =	sadd.s32 s9, s5;
	s9 =	ssub.s32 s6, s30;
	s6 =	sadd.s32 s7, s31  }
0xe: {  	s5 =	sadd.s32 $0x400, s5;
	s7 =	smax.u32 s9, $0x1;
	s9 =	simm.s32 $0x10000  }
.LBB2_8:
0xf: {  	s20 =	sadd.s32 $0x1, s20  }
0x10: {  	_ =	swait.ge [sflag:s18], $0x2000;
	p0 =	sne.s32 s20, s7  }
.Ltmp1:
0x11: {  	[sflag:s18] =	ssyncset.done $0x0;
	(pc) =	sbr.rel @!p0 .LBB2_9-.Ltmp1, $4  }
0x12: {  	[sflag:s18] =	ssyncadd.s32 $0xFFFFE000  }
0x13: {  	_ =	swait.ge [sflag:s19], $0x2000  }
0x14: {  	[sflag:s19] =	ssyncset.done $0x0  }
0x15: {  	[sflag:s19] =	ssyncadd.s32 $0xFFFFE000  }
.LBB2_1:
0x16: {  	[tilespmem:s4], [sflag:$0x5] =	stream.linear.gather [hbm4b:s3+s4], $0x10000, $0x38;
	[tilespmem:$0x1C000] =	vst v63  }
0x17: {  	_ =	swait.ge [sflag:s8], $0x10000  }
0x18: {  	[sflag:s8] =	ssyncset.done $0x0  }
0x19: {  	[sflag:s8] =	ssyncadd.s32 $0xFFFF0000  }
0x1a: {  	[tilespmem:s9], [sflag:$0x5] =	stream.linear.gather [hbm4b:s5+s4], $0x4000, $0x38;
	[tilespmem:$0x1C000] =	vst v63  }
0x1b: {  	_ =	swait.ge [sflag:s8], $0x4000  }
0x1c: {  	[sflag:s8] =	ssyncset.done $0x0  }
0x1d: {  	[sflag:s8] =	ssyncadd.s32 $0xFFFFC000  }
0x1e: {  	[tilespmem:s11], [sflag:$0x1] =	stream.indirect.gather [hbm4b:s1+s10], $0x80, s9, s10, $0xb8;
	[tilespmem:$0x1C000] =	vst v63  }
0x1f: {  	s21 =	simm.s32 $0x0;
	s22 =	simm.s32 $0x0;
	s23 =	simm.s32 $0x0  }
0x20: {  	[tilespmem:s13], [sflag:$0x2] =	stream.indirect.gather [hbm4b:s1+s10], $0x80, s12, s10, $0xb8;
	[tilespmem:$0x1C000] =	vst v63  }
.LBB2_2:
0x21: {  	s24 =	sand.u32 $0x3, s22;
	_ =	swait.ge [sflag:s14], $0x2000  }
0x22: {  	p0 =	seq.s32 s23, $0x0;
	s24 =	sshll.u32 s24, $0xE;
	[sflag:s14] =	ssyncset.done $0x0  }
0x23: {  	s25 =	simm.s32 @!p0 $0x3;
	s24 =	sor.u32 $0x40, s24;
	[sflag:s14] =	ssyncadd.s32 $0xFFFFE000  }
0x24: {  	_ =	swait.ge @!p0 [sflag:s25], $0x2000;
	v0 =	vmov s24  }
0x25: {  	[sflag:s25] =	ssyncset.done @!p0 $0x0  }
0x26: {  	s26 =	simm.s32 $0x0;
	[sflag:s25] =	ssyncadd.s32 @!p0 $0xFFFFE000  }
0x27: {  	v1 =	vld [tilespmem:s26+$0x14000];
	_ =	sdelay $0x1  }
0x28: {  	v2 =	vld.idx.msk [tilespmem:v0+s26+$0xFFFFFFC0 ss:$0x1], $0xffff;
	_ =	sdelay $0x2  }
0x29: {  	v1 =	vmul.f32 $1.131370830e+01, v1;
	_ =	sdelay $0x1  }
0x2a: {  	v1 =	vadd.f32 v2, v1;
	_ =	sdelay $0x1  }
0x2b: {  	[tilespmem:s26+$0x18000] =	vst v1;
	v1 =	vld [tilespmem:s26+$0x14010];
	_ =	sdelay $0x1  }
0x2c: {  	v2 =	vld.idx.msk [tilespmem:v0+s26+$0xFFFFFFD0 ss:$0x1], $0xffff;
	_ =	sdelay $0x2  }
0x2d: {  	v1 =	vmul.f32 $1.131370830e+01, v1;
	_ =	sdelay $0x1  }
0x2e: {  	v1 =	vadd.f32 v2, v1;
	_ =	sdelay $0x1  }
0x2f: {  	[tilespmem:s26+$0x18010] =	vst v1;
	v1 =	vld [tilespmem:s26+$0x14020];
	_ =	sdelay $0x1  }
0x30: {  	v2 =	vld.idx.msk [tilespmem:v0+s26+$0xFFFFFFE0 ss:$0x1], $0xffff;
	_ =	sdelay $0x2  }
0x31: {  	v1 =	vmul.f32 $1.131370830e+01, v1;
	_ =	sdelay $0x1  }
0x32: {  	v1 =	vadd.f32 v2, v1;
	_ =	sdelay $0x1  }
0x33: {  	[tilespmem:s26+$0x18020] =	vst v1;
	v1 =	vld [tilespmem:s26+$0x14030];
	_ =	sdelay $0x1  }
0x34: {  	v2 =	vld.idx.msk [tilespmem:v0+s26+$0xFFFFFFF0 ss:$0x1], $0xffff;
	_ =	sdelay $0x2  }
0x35: {  	v1 =	vmul.f32 $1.131370830e+01, v1;
	_ =	sdelay $0x1  }
0x36: {  	v1 =	vadd.f32 v2, v1;
	_ =	sdelay $0x1  }
0x37: {  	[tilespmem:s26+$0x18030] =	vst v1;
	v1 =	vld [tilespmem:s26+$0x14040];
	_ =	sdelay $0x1  }
0x38: {  	v2 =	vld.idx.msk [tilespmem:v0+s26+$0x0 ss:$0x1], $0xffff;
	_ =	sdelay $0x2  }
0x39: {  	v1 =	vmul.f32 $1.131370830e+01, v1;
	_ =	sdelay $0x1  }
0x3a: {  	v1 =	vadd.f32 v2, v1;
	_ =	sdelay $0x1  }
0x3b: {  	[tilespmem:s26+$0x18040] =	vst v1;
	v1 =	vld [tilespmem:s26+$0x14050];
	_ =	sdelay $0x1  }
0x3c: {  	v2 =	vld.idx.msk [tilespmem:v0+s26+$0x10 ss:$0x1], $0xffff;
	_ =	sdelay $0x2  }
0x3d: {  	v1 =	vmul.f32 $1.131370830e+01, v1;
	_ =	sdelay $0x1  }
0x3e: {  	v1 =	vadd.f32 v2, v1;
	_ =	sdelay $0x1  }
0x3f: {  	[tilespmem:s26+$0x18050] =	vst v1;
	v1 =	vld [tilespmem:s26+$0x14060];
	_ =	sdelay $0x1  }
0x40: {  	v2 =	vld.idx.msk [tilespmem:v0+s26+$0x20 ss:$0x1], $0xffff;
	_ =	sdelay $0x2  }
0x41: {  	v1 =	vmul.f32 $1.131370830e+01, v1;
	_ =	sdelay $0x1  }
0x42: {  	v1 =	vadd.f32 v2, v1;
	_ =	sdelay $0x1  }
0x43: {  	[tilespmem:s26+$0x18060] =	vst v1;
	v1 =	vld [tilespmem:s26+$0x14070];
	_ =	sdelay $0x1  }
0x44: {  	v2 =	vld.idx.msk [tilespmem:v0+s26+$0x30 ss:$0x1], $0xffff;
	_ =	sdelay $0x2  }
0x45: {  	v1 =	vmul.f32 $1.131370830e+01, v1  }
0x46: {  	s31 =	sand.u32 $0x7, s21  }
0x47: {  	s29 =	simm.s32 $0x80;
	s24 =	sshll.u32 s31, $0xD;
	v1 =	vadd.f32 v2, v1  }
0x48: {  	s28 =	simm.s32 $0x400;
	s25 =	sadd.s32 $0x2070, s24;
	s24 =	sshll.u32 s23, $0x1  }
.LBB2_3:
0x49: {  	p1 =	sne.s32 s28, $0x7E00;
	v2 =	vld [tilespmem:s29+$0x14000];
	[tilespmem:s26+$0x18070] =	vst v1;
	s26 =	smov.u32 s29  }
0x4a: {  	v1 =	vld.idx.msk [tilespmem:v0+s26+$0xFFFFFFC0 ss:$0x1], $0xffff;
	_ =	sdelay $0x3  }
0x4b: {  	v2 =	vmul.f32 $1.131370830e+01, v2;
	_ =	sdelay $0x1  }
0x4c: {  	v1 =	vadd.f32 v1, v2;
	_ =	sdelay $0x1  }
0x4d: {  	[tilespmem:s26+$0x18000] =	vst v1;
	v1 =	vld [tilespmem:s26+$0x14010]  }
0x4e: {  	v2 =	vld.idx.msk [tilespmem:v0+s26+$0xFFFFFFD0 ss:$0x1], $0xffff;
	_ =	sdelay $0x3  }
0x4f: {  	v1 =	vmul.f32 $1.131370830e+01, v1;
	_ =	sdelay $0x1  }
0x50: {  	v1 =	vadd.f32 v2, v1;
	_ =	sdelay $0x1  }
0x51: {  	[tilespmem:s26+$0x18010] =	vst v1;
	v1 =	vld [tilespmem:s26+$0x14020]  }
0x52: {  	v2 =	vld.idx.msk [tilespmem:v0+s26+$0xFFFFFFE0 ss:$0x1], $0xffff;
	_ =	sdelay $0x3  }
0x53: {  	v1 =	vmul.f32 $1.131370830e+01, v1;
	_ =	sdelay $0x1  }
0x54: {  	v1 =	vadd.f32 v2, v1;
	_ =	sdelay $0x1  }
0x55: {  	[tilespmem:s26+$0x18020] =	vst v1;
	v1 =	vld [tilespmem:s26+$0x14030]  }
0x56: {  	v2 =	vld.idx.msk [tilespmem:v0+s26+$0xFFFFFFF0 ss:$0x1], $0xffff;
	_ =	sdelay $0x3  }
0x57: {  	v1 =	vmul.f32 $1.131370830e+01, v1;
	_ =	sdelay $0x1  }
0x58: {  	v1 =	vadd.f32 v2, v1;
	_ =	sdelay $0x1  }
0x59: {  	[tilespmem:s26+$0x18030] =	vst v1;
	v1 =	vld [tilespmem:s26+$0x14040]  }
0x5a: {  	v2 =	vld.idx.msk [tilespmem:v0+s26+$0x0 ss:$0x1], $0xffff;
	_ =	sdelay $0x3  }
0x5b: {  	v1 =	vmul.f32 $1.131370830e+01, v1;
	_ =	sdelay $0x1  }
0x5c: {  	v1 =	vadd.f32 v2, v1;
	_ =	sdelay $0x1  }
0x5d: {  	[tilespmem:s26+$0x18040] =	vst v1;
	v1 =	vld [tilespmem:s26+$0x14050]  }
0x5e: {  	v2 =	vld.idx.msk [tilespmem:v0+s26+$0x10 ss:$0x1], $0xffff;
	_ =	sdelay $0x3  }
0x5f: {  	v1 =	vmul.f32 $1.131370830e+01, v1;
	_ =	sdelay $0x1  }
0x60: {  	v1 =	vadd.f32 v2, v1;
	_ =	sdelay $0x1  }
0x61: {  	[tilespmem:s26+$0x18050] =	vst v1;
	v1 =	vld [tilespmem:s26+$0x14060]  }
0x62: {  	v2 =	vld.idx.msk [tilespmem:v0+s26+$0x20 ss:$0x1], $0xffff;
	_ =	sdelay $0x3  }
0x63: {  	v1 =	vmul.f32 $1.131370830e+01, v1;
	_ =	sdelay $0x1  }
0x64: {  	v1 =	vadd.f32 v2, v1;
	_ =	sdelay $0x1  }
0x65: {  	[tilespmem:s26+$0x18060] =	vst v1;
	v1 =	vld [tilespmem:s26+$0x14070]  }
0x66: {  	v2 =	vld.idx.msk [tilespmem:v0+s26+$0x30 ss:$0x1], $0xffff;
	_ =	sdelay $0x2  }
.Ltmp2:
0x67: {  	(pc) =	sbr.rel @p1 .LBB2_3-.Ltmp2, $3  }
0x68: {  	v1 =	vmul.f32 $1.131370830e+01, v1;
	_ =	sdelay $0x1  }
0x69: {  	v1 =	vadd.f32 v2, v1  }
0x6a: {  	s29 =	sshra.s32 s28, $0x2;
	s28 =	sadd.s32 $0x200, s28  }
0x6b: {  	_ =	sdelay $0x1  }
0x6c: {  	v2 =	vld [tilespmem:s29+$0x14000]  }
0x6d: {  	[tilespmem:s26+$0x18070] =	vst v1  }
0x6e: {  	v1 =	vld.idx.msk [tilespmem:v0+s29+$0xFFFFFFC0 ss:$0x1], $0xffff;
	_ =	sdelay $0x2  }
0x6f: {  	v2 =	vmul.f32 $1.131370830e+01, v2;
	_ =	sdelay $0x1  }
0x70: {  	v1 =	vadd.f32 v1, v2;
	_ =	sdelay $0x1  }
0x71: {  	[tilespmem:s29+$0x18000] =	vst v1;
	v1 =	vld [tilespmem:s29+$0x14010];
	_ =	sdelay $0x1  }
0x72: {  	v2 =	vld.idx.msk [tilespmem:v0+s29+$0xFFFFFFD0 ss:$0x1], $0xffff;
	_ =	sdelay $0x2  }
0x73: {  	v1 =	vmul.f32 $1.131370830e+01, v1;
	_ =	sdelay $0x1  }
0x74: {  	v1 =	vadd.f32 v2, v1;
	_ =	sdelay $0x1  }
0x75: {  	[tilespmem:s29+$0x18010] =	vst v1;
	v1 =	vld [tilespmem:s29+$0x14020];
	_ =	sdelay $0x1  }
0x76: {  	v2 =	vld.idx.msk [tilespmem:v0+s29+$0xFFFFFFE0 ss:$0x1], $0xffff;
	_ =	sdelay $0x2  }
0x77: {  	v1 =	vmul.f32 $1.131370830e+01, v1;
	_ =	sdelay $0x1  }
0x78: {  	v1 =	vadd.f32 v2, v1;
	_ =	sdelay $0x1  }
0x79: {  	[tilespmem:s29+$0x18020] =	vst v1;
	v1 =	vld [tilespmem:s29+$0x14030];
	_ =	sdelay $0x1  }
0x7a: {  	v2 =	vld.idx.msk [tilespmem:v0+s29+$0xFFFFFFF0 ss:$0x1], $0xffff;
	_ =	sdelay $0x2  }
0x7b: {  	v1 =	vmul.f32 $1.131370830e+01, v1;
	_ =	sdelay $0x1  }
0x7c: {  	v1 =	vadd.f32 v2, v1;
	_ =	sdelay $0x1  }
0x7d: {  	[tilespmem:s29+$0x18030] =	vst v1;
	v1 =	vld [tilespmem:s29+$0x14040];
	_ =	sdelay $0x1  }
0x7e: {  	v2 =	vld.idx.msk [tilespmem:v0+s29+$0x0 ss:$0x1], $0xffff;
	_ =	sdelay $0x2  }
0x7f: {  	v1 =	vmul.f32 $1.131370830e+01, v1;
	_ =	sdelay $0x1  }
0x80: {  	v1 =	vadd.f32 v2, v1;
	_ =	sdelay $0x1  }
0x81: {  	[tilespmem:s29+$0x18040] =	vst v1;
	v1 =	vld [tilespmem:s29+$0x14050];
	_ =	sdelay $0x1  }
0x82: {  	v2 =	vld.idx.msk [tilespmem:v0+s29+$0x10 ss:$0x1], $0xffff;
	_ =	sdelay $0x2  }
0x83: {  	v1 =	vmul.f32 $1.131370830e+01, v1;
	_ =	sdelay $0x1  }
0x84: {  	v1 =	vadd.f32 v2, v1;
	_ =	sdelay $0x1  }
0x85: {  	[tilespmem:s29+$0x18050] =	vst v1;
	v1 =	vld [tilespmem:s29+$0x14060];
	_ =	sdelay $0x1  }
0x86: {  	v2 =	vld.idx.msk [tilespmem:v0+s29+$0x20 ss:$0x1], $0xffff;
	_ =	sdelay $0x2  }
0x87: {  	v1 =	vmul.f32 $1.131370830e+01, v1;
	_ =	sdelay $0x1  }
0x88: {  	v1 =	vadd.f32 v2, v1;
	_ =	sdelay $0x1  }
0x89: {  	[tilespmem:s29+$0x18060] =	vst v1;
	v1 =	vld [tilespmem:s29+$0x14070];
	_ =	sdelay $0x1  }
0x8a: {  	v0 =	vld.idx.msk [tilespmem:v0+s29+$0x30 ss:$0x1], $0xffff;
	_ =	sdelay $0x2  }
0x8b: {  	v1 =	vmul.f32 $1.131370830e+01, v1;
	_ =	sdelay $0x1  }
0x8c: {  	v0 =	vadd.f32 v0, v1  }
0x8d: {  	s31 =	sshll.u32 s23, $0xB  }
0x8e: {  	p1 =	seq.s32 s23, $0x7F;
	s26 =	sadd.s32 s31, s6;
	[tilespmem:s29+$0x18070] =	vst v0  }
0x8f: {  	[hbm4b:s26+s4] =	stream.linear.scatter [tilespmem:s15], [sflag:$0x3], $0x2000, $0x38;
	[tilespmem:$0x1C000] =	vst v63  }
0x90: {  	s26 =	sshll.u32 @!p1 s23, $0x7  }
0x91: {  	s26 =	sand.u32 @!p1 $0x3FFFFF80, s26  }
0x92: {  	s28 =	simm.s32 @!p1 $0x40;
	s29 =	simm.s32 @!p1 $0x14000;
	s26 =	sadd.s32 @!p1 $0x10080, s26  }
0x93: {  	[tilespmem:s29], [sflag:$0x1] =	stream.indirect.gather @!p1 [hbm4b:s1+s28], $0x80, s26, s28, $0xb8;
	[tilespmem:$0x1C000] =	vst v63  }
0x94: {  	_ =	swait.ge [sflag:s16], $0x2000  }
0x95: {  	[sflag:s16] =	ssyncset.done $0x0  }
0x96: {  	s26 =	simm.s32 @!p0 $0x4;
	[sflag:s16] =	ssyncadd.s32 $0xFFFFE000  }
0x97: {  	v0 =	vmov s25;
	_ =	swait.ge @!p0 [sflag:s26], $0x2000  }
0x98: {  	[sflag:s26] =	ssyncset.done @!p0 $0x0  }
0x99: {  	s25 =	simm.s32 $0x0;
	[sflag:s26] =	ssyncadd.s32 @!p0 $0xFFFFE000  }
0x9a: {  	v1 =	vld [tilespmem:s25+$0x16000];
	_ =	sdelay $0x1  }
0x9b: {  	v2 =	vld.idx.msk [tilespmem:v0+s25+$0xFFFFFF90 ss:$0x1], $0xffff;
	_ =	sdelay $0x2  }
0x9c: {  	v1 =	vmul.f32 $1.131370830e+01, v1;
	_ =	sdelay $0x1  }
0x9d: {  	v1 =	vadd.f32 v2, v1;
	_ =	sdelay $0x1  }
0x9e: {  	[tilespmem:s25+$0x1A000] =	vst v1;
	v1 =	vld [tilespmem:s25+$0x16010];
	_ =	sdelay $0x1  }
0x9f: {  	v2 =	vld.idx.msk [tilespmem:v0+s25+$0xFFFFFFA0 ss:$0x1], $0xffff;
	_ =	sdelay $0x2  }
0xa0: {  	v1 =	vmul.f32 $1.131370830e+01, v1;
	_ =	sdelay $0x1  }
0xa1: {  	v1 =	vadd.f32 v2, v1;
	_ =	sdelay $0x1  }
0xa2: {  	[tilespmem:s25+$0x1A010] =	vst v1;
	v1 =	vld [tilespmem:s25+$0x16020];
	_ =	sdelay $0x1  }
0xa3: {  	v2 =	vld.idx.msk [tilespmem:v0+s25+$0xFFFFFFB0 ss:$0x1], $0xffff;
	_ =	sdelay $0x2  }
0xa4: {  	v1 =	vmul.f32 $1.131370830e+01, v1;
	_ =	sdelay $0x1  }
0xa5: {  	v1 =	vadd.f32 v2, v1;
	_ =	sdelay $0x1  }
0xa6: {  	[tilespmem:s25+$0x1A020] =	vst v1;
	v1 =	vld [tilespmem:s25+$0x16030];
	_ =	sdelay $0x1  }
0xa7: {  	v2 =	vld.idx.msk [tilespmem:v0+s25+$0xFFFFFFC0 ss:$0x1], $0xffff;
	_ =	sdelay $0x2  }
0xa8: {  	v1 =	vmul.f32 $1.131370830e+01, v1;
	_ =	sdelay $0x1  }
0xa9: {  	v1 =	vadd.f32 v2, v1;
	_ =	sdelay $0x1  }
0xaa: {  	[tilespmem:s25+$0x1A030] =	vst v1;
	v1 =	vld [tilespmem:s25+$0x16040];
	_ =	sdelay $0x1  }
0xab: {  	v2 =	vld.idx.msk [tilespmem:v0+s25+$0xFFFFFFD0 ss:$0x1], $0xffff;
	_ =	sdelay $0x2  }
0xac: {  	v1 =	vmul.f32 $1.131370830e+01, v1;
	_ =	sdelay $0x1  }
0xad: {  	v1 =	vadd.f32 v2, v1;
	_ =	sdelay $0x1  }
0xae: {  	[tilespmem:s25+$0x1A040] =	vst v1;
	v1 =	vld [tilespmem:s25+$0x16050];
	_ =	sdelay $0x1  }
0xaf: {  	v2 =	vld.idx.msk [tilespmem:v0+s25+$0xFFFFFFE0 ss:$0x1], $0xffff;
	_ =	sdelay $0x2  }
0xb0: {  	v1 =	vmul.f32 $1.131370830e+01, v1;
	_ =	sdelay $0x1  }
0xb1: {  	v1 =	vadd.f32 v2, v1;
	_ =	sdelay $0x1  }
0xb2: {  	[tilespmem:s25+$0x1A050] =	vst v1;
	v1 =	vld [tilespmem:s25+$0x16060];
	_ =	sdelay $0x1  }
0xb3: {  	v2 =	vld.idx.msk [tilespmem:v0+s25+$0xFFFFFFF0 ss:$0x1], $0xffff;
	_ =	sdelay $0x2  }
0xb4: {  	v1 =	vmul.f32 $1.131370830e+01, v1;
	_ =	sdelay $0x1  }
0xb5: {  	v1 =	vadd.f32 v2, v1;
	_ =	sdelay $0x1  }
0xb6: {  	[tilespmem:s25+$0x1A060] =	vst v1;
	v1 =	vld [tilespmem:s25+$0x16070];
	_ =	sdelay $0x1  }
0xb7: {  	v2 =	vld.idx.msk [tilespmem:v0+s25+$0x0 ss:$0x1], $0xffff;
	_ =	sdelay $0x2  }
0xb8: {  	v1 =	vmul.f32 $1.131370830e+01, v1;
	_ =	sdelay $0x1  }
0xb9: {  	v1 =	vadd.f32 v2, v1  }
0xba: {  	s24 =	sor.u32 $0x1, s24;
	s28 =	simm.s32 $0x80;
	s26 =	simm.s32 $0x400  }
.LBB2_5:
0xbb: {  	p0 =	sne.s32 s26, $0x7E00;
	v2 =	vld [tilespmem:s28+$0x16000];
	[tilespmem:s25+$0x1A070] =	vst v1;
	s25 =	smov.u32 s28  }
0xbc: {  	v1 =	vld.idx.msk [tilespmem:v0+s25+$0xFFFFFF90 ss:$0x1], $0xffff;
	_ =	sdelay $0x3  }
0xbd: {  	v2 =	vmul.f32 $1.131370830e+01, v2;
	_ =	sdelay $0x1  }
0xbe: {  	v1 =	vadd.f32 v1, v2;
	_ =	sdelay $0x1  }
0xbf: {  	[tilespmem:s25+$0x1A000] =	vst v1;
	v1 =	vld [tilespmem:s25+$0x16010]  }
0xc0: {  	v2 =	vld.idx.msk [tilespmem:v0+s25+$0xFFFFFFA0 ss:$0x1], $0xffff;
	_ =	sdelay $0x3  }
0xc1: {  	v1 =	vmul.f32 $1.131370830e+01, v1;
	_ =	sdelay $0x1  }
0xc2: {  	v1 =	vadd.f32 v2, v1;
	_ =	sdelay $0x1  }
0xc3: {  	[tilespmem:s25+$0x1A010] =	vst v1;
	v1 =	vld [tilespmem:s25+$0x16020]  }
0xc4: {  	v2 =	vld.idx.msk [tilespmem:v0+s25+$0xFFFFFFB0 ss:$0x1], $0xffff;
	_ =	sdelay $0x3  }
0xc5: {  	v1 =	vmul.f32 $1.131370830e+01, v1;
	_ =	sdelay $0x1  }
0xc6: {  	v1 =	vadd.f32 v2, v1;
	_ =	sdelay $0x1  }
0xc7: {  	[tilespmem:s25+$0x1A020] =	vst v1;
	v1 =	vld [tilespmem:s25+$0x16030]  }
0xc8: {  	v2 =	vld.idx.msk [tilespmem:v0+s25+$0xFFFFFFC0 ss:$0x1], $0xffff;
	_ =	sdelay $0x3  }
0xc9: {  	v1 =	vmul.f32 $1.131370830e+01, v1;
	_ =	sdelay $0x1  }
0xca: {  	v1 =	vadd.f32 v2, v1;
	_ =	sdelay $0x1  }
0xcb: {  	[tilespmem:s25+$0x1A030] =	vst v1;
	v1 =	vld [tilespmem:s25+$0x16040]  }
0xcc: {  	v2 =	vld.idx.msk [tilespmem:v0+s25+$0xFFFFFFD0 ss:$0x1], $0xffff;
	_ =	sdelay $0x3  }
0xcd: {  	v1 =	vmul.f32 $1.131370830e+01, v1;
	_ =	sdelay $0x1  }
0xce: {  	v1 =	vadd.f32 v2, v1;
	_ =	sdelay $0x1  }
0xcf: {  	[tilespmem:s25+$0x1A040] =	vst v1;
	v1 =	vld [tilespmem:s25+$0x16050]  }
0xd0: {  	v2 =	vld.idx.msk [tilespmem:v0+s25+$0xFFFFFFE0 ss:$0x1], $0xffff;
	_ =	sdelay $0x3  }
0xd1: {  	v1 =	vmul.f32 $1.131370830e+01, v1;
	_ =	sdelay $0x1  }
0xd2: {  	v1 =	vadd.f32 v2, v1;
	_ =	sdelay $0x1  }
0xd3: {  	[tilespmem:s25+$0x1A050] =	vst v1;
	v1 =	vld [tilespmem:s25+$0x16060]  }
0xd4: {  	v2 =	vld.idx.msk [tilespmem:v0+s25+$0xFFFFFFF0 ss:$0x1], $0xffff;
	_ =	sdelay $0x3  }
0xd5: {  	v1 =	vmul.f32 $1.131370830e+01, v1;
	_ =	sdelay $0x1  }
0xd6: {  	v1 =	vadd.f32 v2, v1;
	_ =	sdelay $0x1  }
0xd7: {  	[tilespmem:s25+$0x1A060] =	vst v1;
	v1 =	vld [tilespmem:s25+$0x16070]  }
0xd8: {  	v2 =	vld.idx.msk [tilespmem:v0+s25+$0x0 ss:$0x1], $0xffff;
	_ =	sdelay $0x2  }
.Ltmp3:
0xd9: {  	(pc) =	sbr.rel @p0 .LBB2_5-.Ltmp3, $3  }
0xda: {  	v1 =	vmul.f32 $1.131370830e+01, v1;
	_ =	sdelay $0x1  }
0xdb: {  	v1 =	vadd.f32 v2, v1  }
0xdc: {  	s28 =	sshra.s32 s26, $0x2;
	s26 =	sadd.s32 $0x200, s26  }
0xdd: {  	_ =	sdelay $0x1  }
0xde: {  	v2 =	vld [tilespmem:s28+$0x16000]  }
0xdf: {  	[tilespmem:s25+$0x1A070] =	vst v1  }
0xe0: {  	v1 =	vld.idx.msk [tilespmem:v0+s28+$0xFFFFFF90 ss:$0x1], $0xffff;
	_ =	sdelay $0x2  }
0xe1: {  	v2 =	vmul.f32 $1.131370830e+01, v2;
	_ =	sdelay $0x1  }
0xe2: {  	v1 =	vadd.f32 v1, v2  }
0xe3: {  	v50 =	vld [tilespmem:s28+$0x16010]  }
0xe4: {  	[tilespmem:s28+$0x1A000] =	vst v1  }
0xe5: {  	v51 =	vld.idx.msk [tilespmem:v0+s28+$0xFFFFFFA0 ss:$0x1], $0xffff;
	_ =	sdelay $0x2  }
0xe6: {  	v1 =	vmul.f32 $1.131370830e+01, v50;
	_ =	sdelay $0x1  }
0xe7: {  	v1 =	vadd.f32 v51, v1  }
0xe8: {  	v52 =	vld [tilespmem:s28+$0x16020]  }
0xe9: {  	[tilespmem:s28+$0x1A010] =	vst v1  }
0xea: {  	v53 =	vld.idx.msk [tilespmem:v0+s28+$0xFFFFFFB0 ss:$0x1], $0xffff;
	_ =	sdelay $0x2  }
0xeb: {  	v1 =	vmul.f32 $1.131370830e+01, v52;
	_ =	sdelay $0x1  }
0xec: {  	v1 =	vadd.f32 v53, v1  }
0xed: {  	v54 =	vld [tilespmem:s28+$0x16030]  }
0xee: {  	[tilespmem:s28+$0x1A020] =	vst v1  }
0xef: {  	v55 =	vld.idx.msk [tilespmem:v0+s28+$0xFFFFFFC0 ss:$0x1], $0xffff;
	_ =	sdelay $0x2  }
0xf0: {  	v1 =	vmul.f32 $1.131370830e+01, v54;
	_ =	sdelay $0x1  }
0xf1: {  	v1 =	vadd.f32 v55, v1  }
0xf2: {  	v56 =	vld [tilespmem:s28+$0x16040]  }
0xf3: {  	[tilespmem:s28+$0x1A030] =	vst v1  }
0xf4: {  	v57 =	vld.idx.msk [tilespmem:v0+s28+$0xFFFFFFD0 ss:$0x1], $0xffff;
	_ =	sdelay $0x2  }
0xf5: {  	v1 =	vmul.f32 $1.131370830e+01, v56;
	_ =	sdelay $0x1  }
0xf6: {  	v1 =	vadd.f32 v57, v1  }
0xf7: {  	v58 =	vld [tilespmem:s28+$0x16050]  }
0xf8: {  	[tilespmem:s28+$0x1A040] =	vst v1  }
0xf9: {  	v59 =	vld.idx.msk [tilespmem:v0+s28+$0xFFFFFFE0 ss:$0x1], $0xffff;
	_ =	sdelay $0x2  }
0xfa: {  	v1 =	vmul.f32 $1.131370830e+01, v58;
	_ =	sdelay $0x1  }
0xfb: {  	v1 =	vadd.f32 v59, v1  }
0xfc: {  	v60 =	vld [tilespmem:s28+$0x16060]  }
0xfd: {  	[tilespmem:s28+$0x1A050] =	vst v1  }
0xfe: {  	v61 =	vld.idx.msk [tilespmem:v0+s28+$0xFFFFFFF0 ss:$0x1], $0xffff;
	_ =	sdelay $0x2  }
0xff: {  	v1 =	vmul.f32 $1.131370830e+01, v60;
	_ =	sdelay $0x1  }
0x100: {  	v1 =	vadd.f32 v61, v1  }
0x101: {  	v62 =	vld [tilespmem:s28+$0x16070]  }
0x102: {  	[tilespmem:s28+$0x1A060] =	vst v1  }
0x103: {  	v63 =	vld.idx.msk [tilespmem:v0+s28+$0x0 ss:$0x1], $0xffff;
	_ =	sdelay $0x2  }
0x104: {  	v1 =	vmul.f32 $1.131370830e+01, v62  }
.Ltmp4:
0x105: {  	_ = 	snop;
	(pc) =	sbr.rel @p1 .LBB2_8-.Ltmp4, $4  }
0x106: {  	v0 =	vadd.f32 v63, v1  }
0x107: {  	s24 =	sshll.u32 s24, $0xA  }
0x108: {  	s24 =	sadd.s32 s24, s6;
	[tilespmem:s28+$0x1A070] =	vst v0  }
0x109: {  	[hbm4b:s24+s4] =	stream.linear.scatter [tilespmem:s17], [sflag:$0x4], $0x2000, $0x38;
	[tilespmem:$0x1C000] =	vst v63  }
.Ltmp5:
0x10a: {  	(pc) =	sbr.rel .LBB2_2-.Ltmp5, $4  }
0x10b: {  	s24 =	sshll.u32 s23, $0x7  }
0x10c: {  	s23 =	sadd.s32 $0x1, s23;
	s24 =	sand.u32 $0x3FFFFF80, s24  }
0x10d: {  	s22 =	sadd.s32 $0x1, s22;
	s21 =	sadd.s32 $0x2, s21;
	s24 =	sadd.s32 $0x100C0, s24  }
0x10e: {  	[tilespmem:s13], [sflag:$0x2] =	stream.indirect.gather [hbm4b:s1+s10], $0x80, s24, s10, $0xb8;
	[tilespmem:$0x1C000] =	vst v63  }
.LBB2_9:
0x10f: {  	_ =	sfence.sel $0x180000  }
0x110: {  	[bflag:$0x0] =	sbarrier.arrive $0xFFFF  }
0x111: {  	p0 =	sne.s32 s0, $0x0;
	_ =	strace $0x90000047  }
0x112: {  	s0 =	sadd.s32 @!p0 $0x100000, s2;
	[bflag:$0x2] =	sbarrier.arrive $0xFFFF  }
0x113: {  	[sflag:s0] =	ssyncadd.tile.s32 @!p0 $0x1;
	_ =	shalt  }
.Lfunc_end2:
_tile_overlayer_lowered:
.L_overlay_start_2:
0x114: {  	(tag) =	ssettag $0x2  }
0x115: {  	s0 =	rddreg [dreg:$0x0];
	s2 =	stileid.u32  }
0x116: {  	s1 =	rddreg [dreg:$0x1];
	p0 =	sne.s32 s2, $0x0  }
0x117: {  	s3 =	rddreg [dreg:$0x2];
	[bflag:$0x3] =	sbarrier.arrive $0xFFFF;
	s2 =	simm.s32 @!p0 $0x1C05  }
0x118: {  	[timem:s3], [sflag:s2] =	dma.local @!p0 [hbm:s0], s1  }
0x119: {  	s0 =	simm.s32 @!p0 $0x5  }
0x11a: {  	_ =	swait.ge @!p0 [sflag:s0], s1  }
0x11b: {  	s1 =	ssub.s32 @!p0 $0x0, s1;
	[sflag:s0] =	ssyncset.done @!p0 $0x0  }
0x11c: {  	[sflag:s0] =	ssyncadd.s32 @!p0 s1  }
0x11d: {  	[bflag:$0x3] =	sbarrier.arrive $0xFFFF  }
0x11e: {  	_ =	shalt  }

</sc_bundles>
